<compile_context>
chip_gen: v7x
topology: tpu7x:2x2x1
jax: 0.10.2.dev20260603
libtpu: 0.0.44.dev20260713+nightly
codegen_flags: <defaults>
</compile_context>

<pallas_src>
import functools

import jax
import jax.numpy as jnp
from jax import lax
from jax.experimental import pallas as pl
from jax.experimental.pallas import tpu as pltpu
from jax.experimental.pallas import tpu_sc as plsc

N = 10000
E = 320000
D = 128
C = 10

NC = 2
NS = 16
NW = NC * NS
F = D // NW
SLICE = F * N
CH = 40000
NCHUNK = E // CH
GRP = CH // 16

_MESH = plsc.VectorSubcoreMesh(
    core_axis_name="c", subcore_axis_name="s", num_cores=NC, num_subcores=NS
)


@functools.partial(
    pl.kernel,
    out_type=jax.ShapeDtypeStruct((D * N,), jnp.float32),
    mesh=_MESH,
    compiler_params=pltpu.CompilerParams(needs_layout_passes=False),
    scratch_types=[
        pltpu.VMEM((SLICE,), jnp.float32),
        pltpu.VMEM((SLICE,), jnp.float32),
        pltpu.VMEM((CH,), jnp.int32),
    ],
)
def _agg(h_hbm, e_hbm, acc_hbm, hbuf, accbuf, ebuf):
    wid = lax.axis_index("c") * NS + lax.axis_index("s")
    base = wid * SLICE

    pltpu.sync_copy(h_hbm.at[pl.ds(base, SLICE)], hbuf)

    def _zero(i, _):
        accbuf[pl.ds(i * 16, 16)] = jnp.zeros((16,), jnp.float32)
        return 0

    lax.fori_loop(0, SLICE // 16, _zero, 0)

    def _chunk(c, _):
        pltpu.sync_copy(e_hbm.at[pl.ds(c * CH, CH)], ebuf)

        def _group(i, _):
            e = ebuf[pl.ds(i * 16, 16)]
            s = lax.bitwise_and(e, jnp.int32(0xFFFF))
            d = lax.shift_right_logical(e, jnp.int32(16))
            for f in range(F):
                v = plsc.load_gather(hbuf, [s])
                plsc.addupdate_scatter(accbuf, [d], v)
                if f < F - 1:
                    s = s + jnp.int32(N)
                    d = d + jnp.int32(N)
            return 0

        lax.fori_loop(0, GRP, _group, 0)
        return 0

    lax.fori_loop(0, NCHUNK, _chunk, 0)

    pltpu.sync_copy(accbuf, acc_hbm.at[pl.ds(base, SLICE)])


def _mlp_body(h_ref, acc_ref, wa_ref, ba_ref, wb_ref, bb_ref, out_ref):
    t = h_ref[...] + acc_ref[...]
    z = lax.dot_general(
        wa_ref[...], t, (((0,), (0,)), ((), ())),
        precision=lax.Precision.HIGHEST, preferred_element_type=jnp.float32,
    )
    z = jnp.maximum(z + ba_ref[...], 0.0)
    z2 = lax.dot_general(
        wb_ref[...], z, (((0,), (0,)), ((), ())),
        precision=lax.Precision.HIGHEST, preferred_element_type=jnp.float32,
    )
    out_ref[...] = jnp.maximum(z2 + bb_ref[...], 0.0)


_mlp = pl.pallas_call(
    _mlp_body,
    out_shape=jax.ShapeDtypeStruct((D, N), jnp.float32),
)


def _head_body(h_ref, wf1_ref, bf1_ref, wf2_ref, bf2_ref, out_ref):
    s = jnp.sum(h_ref[...], axis=1, keepdims=True) * (1.0 / N)
    z = lax.dot_general(
        wf1_ref[...], s, (((0,), (0,)), ((), ())),
        precision=lax.Precision.HIGHEST, preferred_element_type=jnp.float32,
    )
    z = jnp.maximum(z + bf1_ref[...], 0.0)
    o = lax.dot_general(
        z, wf2_ref[...], (((0,), (0,)), ((), ())),
        precision=lax.Precision.HIGHEST, preferred_element_type=jnp.float32,
    )
    o = o + bf2_ref[...]
    m = jnp.max(o, axis=1, keepdims=True)
    eo = jnp.exp(o - m)
    out_ref[...] = eo / jnp.sum(eo, axis=1, keepdims=True)


_head = pl.pallas_call(
    _head_body,
    out_shape=jax.ShapeDtypeStruct((1, C), jnp.float32),
)


def kernel(x, edge_index, batch,
           W1a, b1a, W1b, b1b,
           W2a, b2a, W2b, b2b,
           W3a, b3a, W3b, b3b,
           Wf1, bf1, Wf2, bf2):
    src = edge_index[0]
    dst = edge_index[1]
    packed = jnp.bitwise_or(src, jnp.left_shift(dst, 16)).astype(jnp.int32)

    hT = x.T
    for Wa, ba, Wb, bb in (
        (W1a, b1a, W1b, b1b),
        (W2a, b2a, W2b, b2b),
        (W3a, b3a, W3b, b3b),
    ):
        acc = _agg(hT.reshape(-1), packed).reshape(D, N)
        hT = _mlp(hT, acc, Wa, ba.reshape(D, 1), Wb, bb.reshape(D, 1))

    return _head(hT, Wf1, bf1.reshape(D, 1), Wf2, bf2.reshape(1, C))

# --- scband reference (transcript-rebuilt; emitter-appended) ---
"""Pipeline reference for scband-ginnet-47957604827354 (READ-ONLY COPY).

The authoritative reference and input builder live on the scoring server;
editing this copy changes nothing except your own understanding.
"""

import jax, jax.numpy as jnp
import numpy as np

N = 10000
E = 320000
D = 128
H = 128
C = 10


def setup_inputs(seed: int = 0) -> dict:
    key = jax.random.key(seed)
    ks = jax.random.split(key, 16)
    x = jax.random.normal(ks[0], (N, D), dtype=jnp.float32)
    edge_index = jax.random.randint(ks[1], (2, E), 0, N, dtype=jnp.int32)
    batch = jnp.zeros((N,), dtype=jnp.int32)
    s_d = 1.0 / np.sqrt(D)
    s_h = 1.0 / np.sqrt(H)
    params = {
        'W1a': jax.random.normal(ks[2], (D, H), dtype=jnp.float32) * s_d,
        'b1a': jnp.zeros((H,), dtype=jnp.float32),
        'W1b': jax.random.normal(ks[3], (H, H), dtype=jnp.float32) * s_h,
        'b1b': jnp.zeros((H,), dtype=jnp.float32),
        'W2a': jax.random.normal(ks[4], (H, H), dtype=jnp.float32) * s_h,
        'b2a': jnp.zeros((H,), dtype=jnp.float32),
        'W2b': jax.random.normal(ks[5], (H, H), dtype=jnp.float32) * s_h,
        'b2b': jnp.zeros((H,), dtype=jnp.float32),
        'W3a': jax.random.normal(ks[6], (H, H), dtype=jnp.float32) * s_h,
        'b3a': jnp.zeros((H,), dtype=jnp.float32),
        'W3b': jax.random.normal(ks[7], (H, H), dtype=jnp.float32) * s_h,
        'b3b': jnp.zeros((H,), dtype=jnp.float32),
        'Wf1': jax.random.normal(ks[8], (H, H), dtype=jnp.float32) * s_h,
        'bf1': jnp.zeros((H,), dtype=jnp.float32),
        'Wf2': jax.random.normal(ks[9], (H, C), dtype=jnp.float32) * s_h,
        'bf2': jnp.zeros((C,), dtype=jnp.float32),
    }
    return {'x': x, 'edge_index': edge_index, 'batch': batch, **params}


def _gin_conv(h, src, dst, Wa, ba, Wb, bb):
    # GINConv with eps=0: nn((1+eps)*x + sum_{j->i} x_j)
    agg = jnp.zeros_like(h).at[dst].add(h[src])
    h = h + agg
    h = jax.nn.relu(h @ Wa + ba)
    h = jax.nn.relu(h @ Wb + bb)
    return h


def reference(x, edge_index, batch,
              W1a, b1a, W1b, b1b,
              W2a, b2a, W2b, b2b,
              W3a, b3a, W3b, b3b,
              Wf1, bf1, Wf2, bf2):
    src = edge_index[0]
    dst = edge_index[1]
    h = _gin_conv(x, src, dst, W1a, b1a, W1b, b1b)
    h = _gin_conv(h, src, dst, W2a, b2a, W2b, b2b)
    h = _gin_conv(h, src, dst, W3a, b3a, W3b, b3b)
    # global mean pool (single graph: batch is all zeros)
    num_graphs = 1
    summed = jax.ops.segment_sum(h, batch, num_segments=num_graphs)
    counts = jax.ops.segment_sum(jnp.ones((h.shape[0],), dtype=h.dtype), batch, num_segments=num_graphs)
    pooled = summed / jnp.maximum(counts, 1.0)[:, None]
    # ffn (dropout is identity in eval mode)
    out = jax.nn.relu(pooled @ Wf1 + bf1)
    out = out @ Wf2 + bf2
    return jax.nn.softmax(out, axis=-1)

if __name__ == "__main__":
    import jax
    _d = setup_inputs()
    print(jax.jit(kernel)(*tuple(_d.values())))

</pallas_src>

<mosaic_0001>
#map = affine_map<(d0, d1) -> (0)>
module attributes {stable_mosaic.version = 14 : i64} {
  func.func @_agg(%arg0: i32, %arg1: i32, %arg2: memref<1280000xf32, #tpu.memory_space<hbm>>, %arg3: memref<320000xi32, #tpu.memory_space<hbm>>, %arg4: memref<1280000xf32, #tpu.memory_space<hbm>>, %arg5: memref<40000xf32, #tpu.memory_space<vmem>>, %arg6: memref<40000xf32, #tpu.memory_space<vmem>>, %arg7: memref<40000xi32, #tpu.memory_space<vmem>>) attributes {dimension_semantics = [#tpu.dimension_semantics<core_parallel>, #tpu.dimension_semantics<subcore_parallel>], iteration_bounds = array<i64: 2, 16>, scalar_prefetch = 0 : i64, scratch_operands = 3 : i64, tpu.core_type = #tpu.core_type<sc_vector_subcore>, window_params = [{transform_indices = #map}, {transform_indices = #map}, {transform_indices = #map}]} {
    %mul3A = arith.constant 16 : i32
    %mul3A_0 = arith.muli %arg0, %mul3A : i32
    %add3A = arith.addi %mul3A_0, %arg1 : i32
    %mul3A_1 = arith.constant 40000 : i32
    %mul3A_2 = arith.muli %add3A, %mul3A_1 : i32
    "tpu.region"() ({
      %run_scoped3A = tpu.sem_alloc : memref<!tpu.dma_semaphore, #tpu.memory_space<semaphore_mem>>
      %dma_start3A = tpu.memref_slice %arg2[%mul3A_2] : memref<1280000xf32, #tpu.memory_space<hbm>> -> memref<40000xf32, #tpu.memory_space<hbm>>
      %dma_start3A_16 = tpu.memref_slice %arg2[%mul3A_2] : memref<1280000xf32, #tpu.memory_space<hbm>> -> memref<40000xf32, #tpu.memory_space<hbm>>
      tpu.enqueue_dma source(%dma_start3A_16 : memref<40000xf32, #tpu.memory_space<hbm>>) target(%arg5 : memref<40000xf32, #tpu.memory_space<vmem>>) target_semaphore(%run_scoped3A : memref<!tpu.dma_semaphore, #tpu.memory_space<semaphore_mem>>)
      %dma_wait3A = tpu.memref_slice %arg2[%mul3A_2] : memref<1280000xf32, #tpu.memory_space<hbm>> -> memref<40000xf32, #tpu.memory_space<hbm>>
      %dma_wait3A_17 = tpu.memref_slice %arg2[%mul3A_2] : memref<1280000xf32, #tpu.memory_space<hbm>> -> memref<40000xf32, #tpu.memory_space<hbm>>
      tpu.wait_dma2 semaphore(%run_scoped3A : memref<!tpu.dma_semaphore, #tpu.memory_space<semaphore_mem>>) src(%dma_wait3A_17 : memref<40000xf32, #tpu.memory_space<hbm>>) dst(%arg5 : memref<40000xf32, #tpu.memory_space<vmem>>)
      tpu.yield
    }) : () -> ()
    %scan3A = arith.constant 0 : i32
    %scan3A_3 = arith.constant 0 : i32
    %scan3A_4 = arith.constant 2500 : i32
    %scan3A_5 = arith.addi %scan3A_3, %scan3A_4 : i32
    %scan3A_6 = arith.constant 1 : i32
    %scan3A_7 = scf.for %scan3A_16 = %scan3A_3 to %scan3A_5 step %scan3A_6 iter_args(%scan3A_17 = %scan3A) -> (i32)  : i32 {
      %broadcast_in_dim3A = arith.constant 0.000000e+00 : f32
      %broadcast_in_dim3A_18 = vector.broadcast %broadcast_in_dim3A : f32 to vector<16xf32>
      %mul3A_19 = arith.constant 16 : i32
      %mul3A_20 = arith.muli %scan3A_16, %mul3A_19 : i32
      %swap3A = arith.index_cast %mul3A_20 : i32 to index
      %swap3A_21 = tpu.vector_load %arg6[%swap3A] {strides = array<i32>} : memref<40000xf32, #tpu.memory_space<vmem>>, vector<16xf32>,
      tpu.vector_store %arg6[%swap3A], %broadcast_in_dim3A_18 {strides = array<i32>} : memref<40000xf32, #tpu.memory_space<vmem>>, vector<16xf32>,
      %scan3A_22 = arith.constant 0 : i32
      scf.yield %scan3A_22 : i32
    }
    %scan3A_8 = arith.constant 2500 : i32
    %scan3A_9 = arith.constant 0 : i32
    %scan3A_10 = arith.constant 0 : i32
    %scan3A_11 = arith.constant 8 : i32
    %scan3A_12 = arith.addi %scan3A_10, %scan3A_11 : i32
    %scan3A_13 = arith.constant 1 : i32
    %scan3A_14 = scf.for %scan3A_16 = %scan3A_10 to %scan3A_12 step %scan3A_13 iter_args(%scan3A_17 = %scan3A_9) -> (i32)  : i32 {
      %mul3A_18 = arith.constant 40000 : i32
      %mul3A_19 = arith.muli %scan3A_16, %mul3A_18 : i32
      "tpu.region"() ({
        %run_scoped3A = tpu.sem_alloc : memref<!tpu.dma_semaphore, #tpu.memory_space<semaphore_mem>>
        %dma_start3A = tpu.memref_slice %arg3[%mul3A_19] : memref<320000xi32, #tpu.memory_space<hbm>> -> memref<40000xi32, #tpu.memory_space<hbm>>
        %dma_start3A_28 = tpu.memref_slice %arg3[%mul3A_19] : memref<320000xi32, #tpu.memory_space<hbm>> -> memref<40000xi32, #tpu.memory_space<hbm>>
        tpu.enqueue_dma source(%dma_start3A_28 : memref<40000xi32, #tpu.memory_space<hbm>>) target(%arg7 : memref<40000xi32, #tpu.memory_space<vmem>>) target_semaphore(%run_scoped3A : memref<!tpu.dma_semaphore, #tpu.memory_space<semaphore_mem>>)
        %dma_wait3A = tpu.memref_slice %arg3[%mul3A_19] : memref<320000xi32, #tpu.memory_space<hbm>> -> memref<40000xi32, #tpu.memory_space<hbm>>
        %dma_wait3A_29 = tpu.memref_slice %arg3[%mul3A_19] : memref<320000xi32, #tpu.memory_space<hbm>> -> memref<40000xi32, #tpu.memory_space<hbm>>
        tpu.wait_dma2 semaphore(%run_scoped3A : memref<!tpu.dma_semaphore, #tpu.memory_space<semaphore_mem>>) src(%dma_wait3A_29 : memref<40000xi32, #tpu.memory_space<hbm>>) dst(%arg7 : memref<40000xi32, #tpu.memory_space<vmem>>)
        tpu.yield
      }) : () -> ()
      %scan3A_20 = arith.constant 0 : i32
      %scan3A_21 = arith.constant 0 : i32
      %scan3A_22 = arith.constant 2500 : i32
      %scan3A_23 = arith.addi %scan3A_21, %scan3A_22 : i32
      %scan3A_24 = arith.constant 1 : i32
      %scan3A_25 = scf.for %scan3A_28 = %scan3A_21 to %scan3A_23 step %scan3A_24 iter_args(%scan3A_29 = %scan3A_20) -> (i32)  : i32 {
        %mul3A_30 = arith.constant 16 : i32
        %mul3A_31 = arith.muli %scan3A_28, %mul3A_30 : i32
        %get3A = arith.index_cast %mul3A_31 : i32 to index
        %get3A_32 = tpu.vector_load %arg7[%get3A] {strides = array<i32>} : memref<40000xi32, #tpu.memory_space<vmem>>, vector<16xi32>,
        %and3A = arith.constant 65535 : i32
        %and3A_33 = vector.broadcast %and3A : i32 to vector<16xi32>
        %and3A_34 = arith.andi %get3A_32, %and3A_33 : vector<16xi32>
        %shift_right_logical3A = arith.constant 16 : i32
        %shift_right_logical3A_35 = vector.broadcast %shift_right_logical3A : i32 to vector<16xi32>
        %shift_right_logical3A_36 = arith.shrui %get3A_32, %shift_right_logical3A_35 : vector<16xi32>
        %gather3A = tpu.vector_load_idx %arg5[%and3A_34] : memref<40000xf32, #tpu.memory_space<vmem>>[vector<16xi32>], vector<16xf32>,
        tpu.vector_store_idx %arg6[%shift_right_logical3A_36], %gather3A {add = true} : memref<40000xf32, #tpu.memory_space<vmem>>[vector<16xi32>], vector<16xf32>,
        %add3A_37 = arith.constant 10000 : i32
        %add3A_38 = vector.broadcast %add3A_37 : i32 to vector<16xi32>
        %add3A_39 = arith.addi %and3A_34, %add3A_38 : vector<16xi32>
        %add3A_40 = arith.constant 10000 : i32
        %add3A_41 = vector.broadcast %add3A_40 : i32 to vector<16xi32>
        %add3A_42 = arith.addi %shift_right_logical3A_36, %add3A_41 : vector<16xi32>
        %gather3A_43 = tpu.vector_load_idx %arg5[%add3A_39] : memref<40000xf32, #tpu.memory_space<vmem>>[vector<16xi32>], vector<16xf32>,
        tpu.vector_store_idx %arg6[%add3A_42], %gather3A_43 {add = true} : memref<40000xf32, #tpu.memory_space<vmem>>[vector<16xi32>], vector<16xf32>,
        %add3A_44 = arith.constant 10000 : i32
        %add3A_45 = vector.broadcast %add3A_44 : i32 to vector<16xi32>
        %add3A_46 = arith.addi %add3A_39, %add3A_45 : vector<16xi32>
        %add3A_47 = arith.constant 10000 : i32
        %add3A_48 = vector.broadcast %add3A_47 : i32 to vector<16xi32>
        %add3A_49 = arith.addi %add3A_42, %add3A_48 : vector<16xi32>
        %gather3A_50 = tpu.vector_load_idx %arg5[%add3A_46] : memref<40000xf32, #tpu.memory_space<vmem>>[vector<16xi32>], vector<16xf32>,
        tpu.vector_store_idx %arg6[%add3A_49], %gather3A_50 {add = true} : memref<40000xf32, #tpu.memory_space<vmem>>[vector<16xi32>], vector<16xf32>,
        %add3A_51 = arith.constant 10000 : i32
        %add3A_52 = vector.broadcast %add3A_51 : i32 to vector<16xi32>
        %add3A_53 = arith.addi %add3A_46, %add3A_52 : vector<16xi32>
        %add3A_54 = arith.constant 10000 : i32
        %add3A_55 = vector.broadcast %add3A_54 : i32 to vector<16xi32>
        %add3A_56 = arith.addi %add3A_49, %add3A_55 : vector<16xi32>
        %gather3A_57 = tpu.vector_load_idx %arg5[%add3A_53] : memref<40000xf32, #tpu.memory_space<vmem>>[vector<16xi32>], vector<16xf32>,
        tpu.vector_store_idx %arg6[%add3A_56], %gather3A_57 {add = true} : memref<40000xf32, #tpu.memory_space<vmem>>[vector<16xi32>], vector<16xf32>,
        %scan3A_58 = arith.constant 0 : i32
        scf.yield %scan3A_58 : i32
      }
      %scan3A_26 = arith.constant 2500 : i32
      %scan3A_27 = arith.constant 0 : i32
      scf.yield %scan3A_27 : i32
    }
    %scan3A_15 = arith.constant 8 : i32
    "tpu.region"() ({
      %run_scoped3A = tpu.sem_alloc : memref<!tpu.dma_semaphore, #tpu.memory_space<semaphore_mem>>
      %dma_start3A = tpu.memref_slice %arg4[%mul3A_2] : memref<1280000xf32, #tpu.memory_space<hbm>> -> memref<40000xf32, #tpu.memory_space<hbm>>
      %dma_start3A_16 = tpu.memref_slice %arg4[%mul3A_2] : memref<1280000xf32, #tpu.memory_space<hbm>> -> memref<40000xf32, #tpu.memory_space<hbm>>
      tpu.enqueue_dma source(%arg6 : memref<40000xf32, #tpu.memory_space<vmem>>) target(%dma_start3A_16 : memref<40000xf32, #tpu.memory_space<hbm>>) target_semaphore(%run_scoped3A : memref<!tpu.dma_semaphore, #tpu.memory_space<semaphore_mem>>)
      %dma_wait3A = tpu.memref_slice %arg4[%mul3A_2] : memref<1280000xf32, #tpu.memory_space<hbm>> -> memref<40000xf32, #tpu.memory_space<hbm>>
      %dma_wait3A_17 = tpu.memref_slice %arg4[%mul3A_2] : memref<1280000xf32, #tpu.memory_space<hbm>> -> memref<40000xf32, #tpu.memory_space<hbm>>
      tpu.wait_dma2 semaphore(%run_scoped3A : memref<!tpu.dma_semaphore, #tpu.memory_space<semaphore_mem>>) src(%arg6 : memref<40000xf32, #tpu.memory_space<vmem>>) dst(%dma_wait3A_17 : memref<40000xf32, #tpu.memory_space<hbm>>)
      tpu.yield
    }) : () -> ()
    return
  }
}

#map = affine_map<(d0, d1) -> (0)>
module attributes {stable_mosaic.version = 14 : i64} {
  func.func @_agg(%arg0: i32, %arg1: i32, %arg2: memref<1280000xf32, #tpu.memory_space<hbm>>, %arg3: memref<320000xi32, #tpu.memory_space<hbm>>, %arg4: memref<1280000xf32, #tpu.memory_space<hbm>>, %arg5: memref<40000xf32, #tpu.memory_space<vmem>>, %arg6: memref<40000xf32, #tpu.memory_space<vmem>>, %arg7: memref<40000xi32, #tpu.memory_space<vmem>>) attributes {dimension_semantics = [#tpu.dimension_semantics<core_parallel>, #tpu.dimension_semantics<subcore_parallel>], iteration_bounds = array<i64: 2, 16>, scalar_prefetch = 0 : i64, scratch_operands = 3 : i64, tpu.core_type = #tpu.core_type<sc_vector_subcore>, window_params = [{transform_indices = #map}, {transform_indices = #map}, {transform_indices = #map}]} {
    %mul3A = arith.constant 16 : i32
    %mul3A_0 = arith.muli %arg0, %mul3A : i32
    %add3A = arith.addi %mul3A_0, %arg1 : i32
    %mul3A_1 = arith.constant 40000 : i32
    %mul3A_2 = arith.muli %add3A, %mul3A_1 : i32
    "tpu.region"() ({
      %run_scoped3A = tpu.sem_alloc : memref<!tpu.dma_semaphore, #tpu.memory_space<semaphore_mem>>
      %dma_start3A = tpu.memref_slice %arg2[%mul3A_2] : memref<1280000xf32, #tpu.memory_space<hbm>> -> memref<40000xf32, #tpu.memory_space<hbm>>
      %dma_start3A_16 = tpu.memref_slice %arg2[%mul3A_2] : memref<1280000xf32, #tpu.memory_space<hbm>> -> memref<40000xf32, #tpu.memory_space<hbm>>
      tpu.enqueue_dma source(%dma_start3A_16 : memref<40000xf32, #tpu.memory_space<hbm>>) target(%arg5 : memref<40000xf32, #tpu.memory_space<vmem>>) target_semaphore(%run_scoped3A : memref<!tpu.dma_semaphore, #tpu.memory_space<semaphore_mem>>)
      %dma_wait3A = tpu.memref_slice %arg2[%mul3A_2] : memref<1280000xf32, #tpu.memory_space<hbm>> -> memref<40000xf32, #tpu.memory_space<hbm>>
      %dma_wait3A_17 = tpu.memref_slice %arg2[%mul3A_2] : memref<1280000xf32, #tpu.memory_space<hbm>> -> memref<40000xf32, #tpu.memory_space<hbm>>
      tpu.wait_dma2 semaphore(%run_scoped3A : memref<!tpu.dma_semaphore, #tpu.memory_space<semaphore_mem>>) src(%dma_wait3A_17 : memref<40000xf32, #tpu.memory_space<hbm>>) dst(%arg5 : memref<40000xf32, #tpu.memory_space<vmem>>)
      tpu.yield
    }) : () -> ()
    %scan3A = arith.constant 0 : i32
    %scan3A_3 = arith.constant 0 : i32
    %scan3A_4 = arith.constant 2500 : i32
    %scan3A_5 = arith.addi %scan3A_3, %scan3A_4 : i32
    %scan3A_6 = arith.constant 1 : i32
    %scan3A_7 = scf.for %scan3A_16 = %scan3A_3 to %scan3A_5 step %scan3A_6 iter_args(%scan3A_17 = %scan3A) -> (i32)  : i32 {
      %broadcast_in_dim3A = arith.constant 0.000000e+00 : f32
      %broadcast_in_dim3A_18 = vector.broadcast %broadcast_in_dim3A : f32 to vector<16xf32>
      %mul3A_19 = arith.constant 16 : i32
      %mul3A_20 = arith.muli %scan3A_16, %mul3A_19 : i32
      %swap3A = arith.index_cast %mul3A_20 : i32 to index
      %swap3A_21 = tpu.vector_load %arg6[%swap3A] {strides = array<i32>} : memref<40000xf32, #tpu.memory_space<vmem>>, vector<16xf32>,
      tpu.vector_store %arg6[%swap3A], %broadcast_in_dim3A_18 {strides = array<i32>} : memref<40000xf32, #tpu.memory_space<vmem>>, vector<16xf32>,
      %scan3A_22 = arith.constant 0 : i32
      scf.yield %scan3A_22 : i32
    }
    %scan3A_8 = arith.constant 2500 : i32
    %scan3A_9 = arith.constant 0 : i32
    %scan3A_10 = arith.constant 0 : i32
    %scan3A_11 = arith.constant 8 : i32
    %scan3A_12 = arith.addi %scan3A_10, %scan3A_11 : i32
    %scan3A_13 = arith.constant 1 : i32
    %scan3A_14 = scf.for %scan3A_16 = %scan3A_10 to %scan3A_12 step %scan3A_13 iter_args(%scan3A_17 = %scan3A_9) -> (i32)  : i32 {
      %mul3A_18 = arith.constant 40000 : i32
      %mul3A_19 = arith.muli %scan3A_16, %mul3A_18 : i32
      "tpu.region"() ({
        %run_scoped3A = tpu.sem_alloc : memref<!tpu.dma_semaphore, #tpu.memory_space<semaphore_mem>>
        %dma_start3A = tpu.memref_slice %arg3[%mul3A_19] : memref<320000xi32, #tpu.memory_space<hbm>> -> memref<40000xi32, #tpu.memory_space<hbm>>
        %dma_start3A_28 = tpu.memref_slice %arg3[%mul3A_19] : memref<320000xi32, #tpu.memory_space<hbm>> -> memref<40000xi32, #tpu.memory_space<hbm>>
        tpu.enqueue_dma source(%dma_start3A_28 : memref<40000xi32, #tpu.memory_space<hbm>>) target(%arg7 : memref<40000xi32, #tpu.memory_space<vmem>>) target_semaphore(%run_scoped3A : memref<!tpu.dma_semaphore, #tpu.memory_space<semaphore_mem>>)
        %dma_wait3A = tpu.memref_slice %arg3[%mul3A_19] : memref<320000xi32, #tpu.memory_space<hbm>> -> memref<40000xi32, #tpu.memory_space<hbm>>
        %dma_wait3A_29 = tpu.memref_slice %arg3[%mul3A_19] : memref<320000xi32, #tpu.memory_space<hbm>> -> memref<40000xi32, #tpu.memory_space<hbm>>
        tpu.wait_dma2 semaphore(%run_scoped3A : memref<!tpu.dma_semaphore, #tpu.memory_space<semaphore_mem>>) src(%dma_wait3A_29 : memref<40000xi32, #tpu.memory_space<hbm>>) dst(%arg7 : memref<40000xi32, #tpu.memory_space<vmem>>)
        tpu.yield
      }) : () -> ()
      %scan3A_20 = arith.constant 0 : i32
      %scan3A_21 = arith.constant 0 : i32
      %scan3A_22 = arith.constant 2500 : i32
      %scan3A_23 = arith.addi %scan3A_21, %scan3A_22 : i32
      %scan3A_24 = arith.constant 1 : i32
      %scan3A_25 = scf.for %scan3A_28 = %scan3A_21 to %scan3A_23 step %scan3A_24 iter_args(%scan3A_29 = %scan3A_20) -> (i32)  : i32 {
        %mul3A_30 = arith.constant 16 : i32
        %mul3A_31 = arith.muli %scan3A_28, %mul3A_30 : i32
        %get3A = arith.index_cast %mul3A_31 : i32 to index
        %get3A_32 = tpu.vector_load %arg7[%get3A] {strides = array<i32>} : memref<40000xi32, #tpu.memory_space<vmem>>, vector<16xi32>,
        %and3A = arith.constant 65535 : i32
        %and3A_33 = vector.broadcast %and3A : i32 to vector<16xi32>
        %and3A_34 = arith.andi %get3A_32, %and3A_33 : vector<16xi32>
        %shift_right_logical3A = arith.constant 16 : i32
        %shift_right_logical3A_35 = vector.broadcast %shift_right_logical3A : i32 to vector<16xi32>
        %shift_right_logical3A_36 = arith.shrui %get3A_32, %shift_right_logical3A_35 : vector<16xi32>
        %gather3A = tpu.vector_load_idx %arg5[%and3A_34] : memref<40000xf32, #tpu.memory_space<vmem>>[vector<16xi32>], vector<16xf32>,
        tpu.vector_store_idx %arg6[%shift_right_logical3A_36], %gather3A {add = true} : memref<40000xf32, #tpu.memory_space<vmem>>[vector<16xi32>], vector<16xf32>,
        %add3A_37 = arith.constant 10000 : i32
        %add3A_38 = vector.broadcast %add3A_37 : i32 to vector<16xi32>
        %add3A_39 = arith.addi %and3A_34, %add3A_38 : vector<16xi32>
        %add3A_40 = arith.constant 10000 : i32
        %add3A_41 = vector.broadcast %add3A_40 : i32 to vector<16xi32>
        %add3A_42 = arith.addi %shift_right_logical3A_36, %add3A_41 : vector<16xi32>
        %gather3A_43 = tpu.vector_load_idx %arg5[%add3A_39] : memref<40000xf32, #tpu.memory_space<vmem>>[vector<16xi32>], vector<16xf32>,
        tpu.vector_store_idx %arg6[%add3A_42], %gather3A_43 {add = true} : memref<40000xf32, #tpu.memory_space<vmem>>[vector<16xi32>], vector<16xf32>,
        %add3A_44 = arith.constant 10000 : i32
        %add3A_45 = vector.broadcast %add3A_44 : i32 to vector<16xi32>
        %add3A_46 = arith.addi %add3A_39, %add3A_45 : vector<16xi32>
        %add3A_47 = arith.constant 10000 : i32
        %add3A_48 = vector.broadcast %add3A_47 : i32 to vector<16xi32>
        %add3A_49 = arith.addi %add3A_42, %add3A_48 : vector<16xi32>
        %gather3A_50 = tpu.vector_load_idx %arg5[%add3A_46] : memref<40000xf32, #tpu.memory_space<vmem>>[vector<16xi32>], vector<16xf32>,
        tpu.vector_store_idx %arg6[%add3A_49], %gather3A_50 {add = true} : memref<40000xf32, #tpu.memory_space<vmem>>[vector<16xi32>], vector<16xf32>,
        %add3A_51 = arith.constant 10000 : i32
        %add3A_52 = vector.broadcast %add3A_51 : i32 to vector<16xi32>
        %add3A_53 = arith.addi %add3A_46, %add3A_52 : vector<16xi32>
        %add3A_54 = arith.constant 10000 : i32
        %add3A_55 = vector.broadcast %add3A_54 : i32 to vector<16xi32>
        %add3A_56 = arith.addi %add3A_49, %add3A_55 : vector<16xi32>
        %gather3A_57 = tpu.vector_load_idx %arg5[%add3A_53] : memref<40000xf32, #tpu.memory_space<vmem>>[vector<16xi32>], vector<16xf32>,
        tpu.vector_store_idx %arg6[%add3A_56], %gather3A_57 {add = true} : memref<40000xf32, #tpu.memory_space<vmem>>[vector<16xi32>], vector<16xf32>,
        %scan3A_58 = arith.constant 0 : i32
        scf.yield %scan3A_58 : i32
      }
      %scan3A_26 = arith.constant 2500 : i32
      %scan3A_27 = arith.constant 0 : i32
      scf.yield %scan3A_27 : i32
    }
    %scan3A_15 = arith.constant 8 : i32
    "tpu.region"() ({
      %run_scoped3A = tpu.sem_alloc : memref<!tpu.dma_semaphore, #tpu.memory_space<semaphore_mem>>
      %dma_start3A = tpu.memref_slice %arg4[%mul3A_2] : memref<1280000xf32, #tpu.memory_space<hbm>> -> memref<40000xf32, #tpu.memory_space<hbm>>
      %dma_start3A_16 = tpu.memref_slice %arg4[%mul3A_2] : memref<1280000xf32, #tpu.memory_space<hbm>> -> memref<40000xf32, #tpu.memory_space<hbm>>
      tpu.enqueue_dma source(%arg6 : memref<40000xf32, #tpu.memory_space<vmem>>) target(%dma_start3A_16 : memref<40000xf32, #tpu.memory_space<hbm>>) target_semaphore(%run_scoped3A : memref<!tpu.dma_semaphore, #tpu.memory_space<semaphore_mem>>)
      %dma_wait3A = tpu.memref_slice %arg4[%mul3A_2] : memref<1280000xf32, #tpu.memory_space<hbm>> -> memref<40000xf32, #tpu.memory_space<hbm>>
      %dma_wait3A_17 = tpu.memref_slice %arg4[%mul3A_2] : memref<1280000xf32, #tpu.memory_space<hbm>> -> memref<40000xf32, #tpu.memory_space<hbm>>
      tpu.wait_dma2 semaphore(%run_scoped3A : memref<!tpu.dma_semaphore, #tpu.memory_space<semaphore_mem>>) src(%arg6 : memref<40000xf32, #tpu.memory_space<vmem>>) dst(%dma_wait3A_17 : memref<40000xf32, #tpu.memory_space<hbm>>)
      tpu.yield
    }) : () -> ()
    return
  }
}

#map = affine_map<(d0, d1) -> (0)>
module attributes {stable_mosaic.version = 14 : i64} {
  func.func @_agg(%arg0: i32, %arg1: i32, %arg2: memref<1280000xf32, #tpu.memory_space<hbm>>, %arg3: memref<320000xi32, #tpu.memory_space<hbm>>, %arg4: memref<1280000xf32, #tpu.memory_space<hbm>>, %arg5: memref<40000xf32, #tpu.memory_space<vmem>>, %arg6: memref<40000xf32, #tpu.memory_space<vmem>>, %arg7: memref<40000xi32, #tpu.memory_space<vmem>>) attributes {dimension_semantics = [#tpu.dimension_semantics<core_parallel>, #tpu.dimension_semantics<subcore_parallel>], iteration_bounds = array<i64: 2, 16>, scalar_prefetch = 0 : i64, scratch_operands = 3 : i64, tpu.core_type = #tpu.core_type<sc_vector_subcore>, window_params = [{transform_indices = #map}, {transform_indices = #map}, {transform_indices = #map}]} {
    %mul3A = arith.constant 16 : i32
    %mul3A_0 = arith.muli %arg0, %mul3A : i32
    %add3A = arith.addi %mul3A_0, %arg1 : i32
    %mul3A_1 = arith.constant 40000 : i32
    %mul3A_2 = arith.muli %add3A, %mul3A_1 : i32
    "tpu.region"() ({
      %run_scoped3A = tpu.sem_alloc : memref<!tpu.dma_semaphore, #tpu.memory_space<semaphore_mem>>
      %dma_start3A = tpu.memref_slice %arg2[%mul3A_2] : memref<1280000xf32, #tpu.memory_space<hbm>> -> memref<40000xf32, #tpu.memory_space<hbm>>
      %dma_start3A_16 = tpu.memref_slice %arg2[%mul3A_2] : memref<1280000xf32, #tpu.memory_space<hbm>> -> memref<40000xf32, #tpu.memory_space<hbm>>
      tpu.enqueue_dma source(%dma_start3A_16 : memref<40000xf32, #tpu.memory_space<hbm>>) target(%arg5 : memref<40000xf32, #tpu.memory_space<vmem>>) target_semaphore(%run_scoped3A : memref<!tpu.dma_semaphore, #tpu.memory_space<semaphore_mem>>)
      %dma_wait3A = tpu.memref_slice %arg2[%mul3A_2] : memref<1280000xf32, #tpu.memory_space<hbm>> -> memref<40000xf32, #tpu.memory_space<hbm>>
      %dma_wait3A_17 = tpu.memref_slice %arg2[%mul3A_2] : memref<1280000xf32, #tpu.memory_space<hbm>> -> memref<40000xf32, #tpu.memory_space<hbm>>
      tpu.wait_dma2 semaphore(%run_scoped3A : memref<!tpu.dma_semaphore, #tpu.memory_space<semaphore_mem>>) src(%dma_wait3A_17 : memref<40000xf32, #tpu.memory_space<hbm>>) dst(%arg5 : memref<40000xf32, #tpu.memory_space<vmem>>)
      tpu.yield
    }) : () -> ()
    %scan3A = arith.constant 0 : i32
    %scan3A_3 = arith.constant 0 : i32
    %scan3A_4 = arith.constant 2500 : i32
    %scan3A_5 = arith.addi %scan3A_3, %scan3A_4 : i32
    %scan3A_6 = arith.constant 1 : i32
    %scan3A_7 = scf.for %scan3A_16 = %scan3A_3 to %scan3A_5 step %scan3A_6 iter_args(%scan3A_17 = %scan3A) -> (i32)  : i32 {
      %broadcast_in_dim3A = arith.constant 0.000000e+00 : f32
      %broadcast_in_dim3A_18 = vector.broadcast %broadcast_in_dim3A : f32 to vector<16xf32>
      %mul3A_19 = arith.constant 16 : i32
      %mul3A_20 = arith.muli %scan3A_16, %mul3A_19 : i32
      %swap3A = arith.index_cast %mul3A_20 : i32 to index
      %swap3A_21 = tpu.vector_load %arg6[%swap3A] {strides = array<i32>} : memref<40000xf32, #tpu.memory_space<vmem>>, vector<16xf32>,
      tpu.vector_store %arg6[%swap3A], %broadcast_in_dim3A_18 {strides = array<i32>} : memref<40000xf32, #tpu.memory_space<vmem>>, vector<16xf32>,
      %scan3A_22 = arith.constant 0 : i32
      scf.yield %scan3A_22 : i32
    }
    %scan3A_8 = arith.constant 2500 : i32
    %scan3A_9 = arith.constant 0 : i32
    %scan3A_10 = arith.constant 0 : i32
    %scan3A_11 = arith.constant 8 : i32
    %scan3A_12 = arith.addi %scan3A_10, %scan3A_11 : i32
    %scan3A_13 = arith.constant 1 : i32
    %scan3A_14 = scf.for %scan3A_16 = %scan3A_10 to %scan3A_12 step %scan3A_13 iter_args(%scan3A_17 = %scan3A_9) -> (i32)  : i32 {
      %mul3A_18 = arith.constant 40000 : i32
      %mul3A_19 = arith.muli %scan3A_16, %mul3A_18 : i32
      "tpu.region"() ({
        %run_scoped3A = tpu.sem_alloc : memref<!tpu.dma_semaphore, #tpu.memory_space<semaphore_mem>>
        %dma_start3A = tpu.memref_slice %arg3[%mul3A_19] : memref<320000xi32, #tpu.memory_space<hbm>> -> memref<40000xi32, #tpu.memory_space<hbm>>
        %dma_start3A_28 = tpu.memref_slice %arg3[%mul3A_19] : memref<320000xi32, #tpu.memory_space<hbm>> -> memref<40000xi32, #tpu.memory_space<hbm>>
        tpu.enqueue_dma source(%dma_start3A_28 : memref<40000xi32, #tpu.memory_space<hbm>>) target(%arg7 : memref<40000xi32, #tpu.memory_space<vmem>>) target_semaphore(%run_scoped3A : memref<!tpu.dma_semaphore, #tpu.memory_space<semaphore_mem>>)
        %dma_wait3A = tpu.memref_slice %arg3[%mul3A_19] : memref<320000xi32, #tpu.memory_space<hbm>> -> memref<40000xi32, #tpu.memory_space<hbm>>
        %dma_wait3A_29 = tpu.memref_slice %arg3[%mul3A_19] : memref<320000xi32, #tpu.memory_space<hbm>> -> memref<40000xi32, #tpu.memory_space<hbm>>
        tpu.wait_dma2 semaphore(%run_scoped3A : memref<!tpu.dma_semaphore, #tpu.memory_space<semaphore_mem>>) src(%dma_wait3A_29 : memref<40000xi32, #tpu.memory_space<hbm>>) dst(%arg7 : memref<40000xi32, #tpu.memory_space<vmem>>)
        tpu.yield
      }) : () -> ()
      %scan3A_20 = arith.constant 0 : i32
      %scan3A_21 = arith.constant 0 : i32
      %scan3A_22 = arith.constant 2500 : i32
      %scan3A_23 = arith.addi %scan3A_21, %scan3A_22 : i32
      %scan3A_24 = arith.constant 1 : i32
      %scan3A_25 = scf.for %scan3A_28 = %scan3A_21 to %scan3A_23 step %scan3A_24 iter_args(%scan3A_29 = %scan3A_20) -> (i32)  : i32 {
        %mul3A_30 = arith.constant 16 : i32
        %mul3A_31 = arith.muli %scan3A_28, %mul3A_30 : i32
        %get3A = arith.index_cast %mul3A_31 : i32 to index
        %get3A_32 = tpu.vector_load %arg7[%get3A] {strides = array<i32>} : memref<40000xi32, #tpu.memory_space<vmem>>, vector<16xi32>,
        %and3A = arith.constant 65535 : i32
        %and3A_33 = vector.broadcast %and3A : i32 to vector<16xi32>
        %and3A_34 = arith.andi %get3A_32, %and3A_33 : vector<16xi32>
        %shift_right_logical3A = arith.constant 16 : i32
        %shift_right_logical3A_35 = vector.broadcast %shift_right_logical3A : i32 to vector<16xi32>
        %shift_right_logical3A_36 = arith.shrui %get3A_32, %shift_right_logical3A_35 : vector<16xi32>
        %gather3A = tpu.vector_load_idx %arg5[%and3A_34] : memref<40000xf32, #tpu.memory_space<vmem>>[vector<16xi32>], vector<16xf32>,
        tpu.vector_store_idx %arg6[%shift_right_logical3A_36], %gather3A {add = true} : memref<40000xf32, #tpu.memory_space<vmem>>[vector<16xi32>], vector<16xf32>,
        %add3A_37 = arith.constant 10000 : i32
        %add3A_38 = vector.broadcast %add3A_37 : i32 to vector<16xi32>
        %add3A_39 = arith.addi %and3A_34, %add3A_38 : vector<16xi32>
        %add3A_40 = arith.constant 10000 : i32
        %add3A_41 = vector.broadcast %add3A_40 : i32 to vector<16xi32>
        %add3A_42 = arith.addi %shift_right_logical3A_36, %add3A_41 : vector<16xi32>
        %gather3A_43 = tpu.vector_load_idx %arg5[%add3A_39] : memref<40000xf32, #tpu.memory_space<vmem>>[vector<16xi32>], vector<16xf32>,
        tpu.vector_store_idx %arg6[%add3A_42], %gather3A_43 {add = true} : memref<40000xf32, #tpu.memory_space<vmem>>[vector<16xi32>], vector<16xf32>,
        %add3A_44 = arith.constant 10000 : i32
        %add3A_45 = vector.broadcast %add3A_44 : i32 to vector<16xi32>
        %add3A_46 = arith.addi %add3A_39, %add3A_45 : vector<16xi32>
        %add3A_47 = arith.constant 10000 : i32
        %add3A_48 = vector.broadcast %add3A_47 : i32 to vector<16xi32>
        %add3A_49 = arith.addi %add3A_42, %add3A_48 : vector<16xi32>
        %gather3A_50 = tpu.vector_load_idx %arg5[%add3A_46] : memref<40000xf32, #tpu.memory_space<vmem>>[vector<16xi32>], vector<16xf32>,
        tpu.vector_store_idx %arg6[%add3A_49], %gather3A_50 {add = true} : memref<40000xf32, #tpu.memory_space<vmem>>[vector<16xi32>], vector<16xf32>,
        %add3A_51 = arith.constant 10000 : i32
        %add3A_52 = vector.broadcast %add3A_51 : i32 to vector<16xi32>
        %add3A_53 = arith.addi %add3A_46, %add3A_52 : vector<16xi32>
        %add3A_54 = arith.constant 10000 : i32
        %add3A_55 = vector.broadcast %add3A_54 : i32 to vector<16xi32>
        %add3A_56 = arith.addi %add3A_49, %add3A_55 : vector<16xi32>
        %gather3A_57 = tpu.vector_load_idx %arg5[%add3A_53] : memref<40000xf32, #tpu.memory_space<vmem>>[vector<16xi32>], vector<16xf32>,
        tpu.vector_store_idx %arg6[%add3A_56], %gather3A_57 {add = true} : memref<40000xf32, #tpu.memory_space<vmem>>[vector<16xi32>], vector<16xf32>,
        %scan3A_58 = arith.constant 0 : i32
        scf.yield %scan3A_58 : i32
      }
      %scan3A_26 = arith.constant 2500 : i32
      %scan3A_27 = arith.constant 0 : i32
      scf.yield %scan3A_27 : i32
    }
    %scan3A_15 = arith.constant 8 : i32
    "tpu.region"() ({
      %run_scoped3A = tpu.sem_alloc : memref<!tpu.dma_semaphore, #tpu.memory_space<semaphore_mem>>
      %dma_start3A = tpu.memref_slice %arg4[%mul3A_2] : memref<1280000xf32, #tpu.memory_space<hbm>> -> memref<40000xf32, #tpu.memory_space<hbm>>
      %dma_start3A_16 = tpu.memref_slice %arg4[%mul3A_2] : memref<1280000xf32, #tpu.memory_space<hbm>> -> memref<40000xf32, #tpu.memory_space<hbm>>
      tpu.enqueue_dma source(%arg6 : memref<40000xf32, #tpu.memory_space<vmem>>) target(%dma_start3A_16 : memref<40000xf32, #tpu.memory_space<hbm>>) target_semaphore(%run_scoped3A : memref<!tpu.dma_semaphore, #tpu.memory_space<semaphore_mem>>)
      %dma_wait3A = tpu.memref_slice %arg4[%mul3A_2] : memref<1280000xf32, #tpu.memory_space<hbm>> -> memref<40000xf32, #tpu.memory_space<hbm>>
      %dma_wait3A_17 = tpu.memref_slice %arg4[%mul3A_2] : memref<1280000xf32, #tpu.memory_space<hbm>> -> memref<40000xf32, #tpu.memory_space<hbm>>
      tpu.wait_dma2 semaphore(%run_scoped3A : memref<!tpu.dma_semaphore, #tpu.memory_space<semaphore_mem>>) src(%arg6 : memref<40000xf32, #tpu.memory_space<vmem>>) dst(%dma_wait3A_17 : memref<40000xf32, #tpu.memory_space<hbm>>)
      tpu.yield
    }) : () -> ()
    return
  }
}

module attributes {stable_mosaic.version = 14 : i64} {
  func.func @_mlp_body(%arg0: memref<128x10000xf32, #tpu.memory_space<vmem>>, %arg1: memref<128x10000xf32, #tpu.memory_space<vmem>>, %arg2: memref<128x128xf32, #tpu.memory_space<vmem>>, %arg3: memref<128x1xf32, #tpu.memory_space<vmem>>, %arg4: memref<128x128xf32, #tpu.memory_space<vmem>>, %arg5: memref<128x1xf32, #tpu.memory_space<vmem>>, %arg6: memref<128x10000xf32, #tpu.memory_space<vmem>>) attributes {dimension_semantics = [], scalar_prefetch = 0 : i64, scratch_operands = 0 : i64, tpu.core_type = #tpu.core_type<tc>} {
    %get3A = arith.constant 0 : index
    %get3A_0 = arith.constant 0 : index
    %get3A_1 = vector.load %arg0[%get3A, %get3A_0] : memref<128x10000xf32, #tpu.memory_space<vmem>>, vector<128x10000xf32>
    %get3A_2 = arith.constant 0 : index
    %get3A_3 = arith.constant 0 : index
    %get3A_4 = vector.load %arg1[%get3A_2, %get3A_3] : memref<128x10000xf32, #tpu.memory_space<vmem>>, vector<128x10000xf32>
    %add3A = arith.addf %get3A_1, %get3A_4 : vector<128x10000xf32>
    %get3A_5 = arith.constant 0 : index
    %get3A_6 = arith.constant 0 : index
    %get3A_7 = vector.load %arg2[%get3A_5, %get3A_6] : memref<128x128xf32, #tpu.memory_space<vmem>>, vector<128x128xf32>
    %dot_general3A = arith.constant dense<0.000000e+00> : vector<128x10000xf32>
    %dot_general3A_8 = tpu.matmul %get3A_7, %add3A, %dot_general3A {dimension_numbers = #tpu.dot_dimension_numbers<[0], [0], [1], [1], [0, 1, 1, 1], [], []>, precision = #tpu.contract_precision<fp32>, transpose_lhs_hint = false} : vector<128x128xf32>, vector<128x10000xf32>, vector<128x10000xf32> -> vector<128x10000xf32>
    %get3A_9 = arith.constant 0 : index
    %get3A_10 = arith.constant 0 : index
    %get3A_11 = vector.load %arg3[%get3A_9, %get3A_10] : memref<128x1xf32, #tpu.memory_space<vmem>>, vector<128x1xf32>
    %add3A_12 = vector.broadcast %get3A_11 : vector<128x1xf32> to vector<128x10000xf32>
    %add3A_13 = arith.addf %dot_general3A_8, %add3A_12 : vector<128x10000xf32>
    %max3A = arith.constant 0.000000e+00 : f32
    %max3A_14 = vector.broadcast %max3A : f32 to vector<128x10000xf32>
    %max3A_15 = arith.maximumf %add3A_13, %max3A_14 : vector<128x10000xf32>
    %get3A_16 = arith.constant 0 : index
    %get3A_17 = arith.constant 0 : index
    %get3A_18 = vector.load %arg4[%get3A_16, %get3A_17] : memref<128x128xf32, #tpu.memory_space<vmem>>, vector<128x128xf32>
    %dot_general3A_19 = arith.constant dense<0.000000e+00> : vector<128x10000xf32>
    %dot_general3A_20 = tpu.matmul %get3A_18, %max3A_15, %dot_general3A_19 {dimension_numbers = #tpu.dot_dimension_numbers<[0], [0], [1], [1], [0, 1, 1, 1], [], []>, precision = #tpu.contract_precision<fp32>, transpose_lhs_hint = false} : vector<128x128xf32>, vector<128x10000xf32>, vector<128x10000xf32> -> vector<128x10000xf32>
    %get3A_21 = arith.constant 0 : index
    %get3A_22 = arith.constant 0 : index
    %get3A_23 = vector.load %arg5[%get3A_21, %get3A_22] : memref<128x1xf32, #tpu.memory_space<vmem>>, vector<128x1xf32>
    %add3A_24 = vector.broadcast %get3A_23 : vector<128x1xf32> to vector<128x10000xf32>
    %add3A_25 = arith.addf %dot_general3A_20, %add3A_24 : vector<128x10000xf32>
    %max3A_26 = arith.constant 0.000000e+00 : f32
    %max3A_27 = vector.broadcast %max3A_26 : f32 to vector<128x10000xf32>
    %max3A_28 = arith.maximumf %add3A_25, %max3A_27 : vector<128x10000xf32>
    %swap3A = arith.constant 0 : index
    %swap3A_29 = arith.constant 0 : index
    %swap3A_30 = vector.load %arg6[%swap3A, %swap3A_29] : memref<128x10000xf32, #tpu.memory_space<vmem>>, vector<128x10000xf32>
    tpu.vector_store %arg6[%swap3A, %swap3A_29], %max3A_28 {strides = array<i32>} : memref<128x10000xf32, #tpu.memory_space<vmem>>, vector<128x10000xf32>,
    return
  }
}

module attributes {stable_mosaic.version = 14 : i64} {
  func.func @_head_body(%arg0: memref<128x10000xf32, #tpu.memory_space<vmem>>, %arg1: memref<128x128xf32, #tpu.memory_space<vmem>>, %arg2: memref<128x1xf32, #tpu.memory_space<vmem>>, %arg3: memref<128x10xf32, #tpu.memory_space<vmem>>, %arg4: memref<1x10xf32, #tpu.memory_space<vmem>>, %arg5: memref<1x10xf32, #tpu.memory_space<vmem>>) attributes {dimension_semantics = [], scalar_prefetch = 0 : i64, scratch_operands = 0 : i64, tpu.core_type = #tpu.core_type<tc>} {
    %get3A = arith.constant 0 : index
    %get3A_0 = arith.constant 0 : index
    %get3A_1 = vector.load %arg0[%get3A, %get3A_0] : memref<128x10000xf32, #tpu.memory_space<vmem>>, vector<128x10000xf32>
    %reduce_sum3A = arith.constant dense<0.000000e+00> : vector<128xf32>
    %reduce_sum3A_2 = vector.multi_reduction <add>, %get3A_1, %reduce_sum3A [1] : vector<128x10000xf32> to vector<128xf32>
    %broadcast_in_dim3A = vector.shape_cast %reduce_sum3A_2 : vector<128xf32> to vector<128x1xf32>
    %mul3A = arith.constant 9.99999974E-5 : f32
    %mul3A_3 = vector.broadcast %mul3A : f32 to vector<128x1xf32>
    %mul3A_4 = arith.mulf %broadcast_in_dim3A, %mul3A_3 : vector<128x1xf32>
    %get3A_5 = arith.constant 0 : index
    %get3A_6 = arith.constant 0 : index
    %get3A_7 = vector.load %arg1[%get3A_5, %get3A_6] : memref<128x128xf32, #tpu.memory_space<vmem>>, vector<128x128xf32>
    %dot_general3A = arith.constant dense<0.000000e+00> : vector<128x1xf32>
    %dot_general3A_8 = tpu.matmul %get3A_7, %mul3A_4, %dot_general3A {dimension_numbers = #tpu.dot_dimension_numbers<[0], [0], [1], [1], [0, 1, 1, 1], [], []>, precision = #tpu.contract_precision<fp32>, transpose_lhs_hint = false} : vector<128x128xf32>, vector<128x1xf32>, vector<128x1xf32> -> vector<128x1xf32>
    %get3A_9 = arith.constant 0 : index
    %get3A_10 = arith.constant 0 : index
    %get3A_11 = vector.load %arg2[%get3A_9, %get3A_10] : memref<128x1xf32, #tpu.memory_space<vmem>>, vector<128x1xf32>
    %add3A = arith.addf %dot_general3A_8, %get3A_11 : vector<128x1xf32>
    %max3A = arith.constant 0.000000e+00 : f32
    %max3A_12 = vector.broadcast %max3A : f32 to vector<128x1xf32>
    %max3A_13 = arith.maximumf %add3A, %max3A_12 : vector<128x1xf32>
    %get3A_14 = arith.constant 0 : index
    %get3A_15 = arith.constant 0 : index
    %get3A_16 = vector.load %arg3[%get3A_14, %get3A_15] : memref<128x10xf32, #tpu.memory_space<vmem>>, vector<128x10xf32>
    %dot_general3A_17 = arith.constant dense<0.000000e+00> : vector<1x10xf32>
    %dot_general3A_18 = tpu.matmul %max3A_13, %get3A_16, %dot_general3A_17 {dimension_numbers = #tpu.dot_dimension_numbers<[0], [0], [1], [1], [0, 1, 1, 1], [], []>, precision = #tpu.contract_precision<fp32>, transpose_lhs_hint = false} : vector<128x1xf32>, vector<128x10xf32>, vector<1x10xf32> -> vector<1x10xf32>
    %get3A_19 = arith.constant 0 : index
    %get3A_20 = arith.constant 0 : index
    %get3A_21 = vector.load %arg4[%get3A_19, %get3A_20] : memref<1x10xf32, #tpu.memory_space<vmem>>, vector<1x10xf32>
    %add3A_22 = arith.addf %dot_general3A_18, %get3A_21 : vector<1x10xf32>
    %reduce_max3A = arith.constant dense<0xFF800000> : vector<1xf32>
    %reduce_max3A_23 = vector.multi_reduction <maximumf>, %add3A_22, %reduce_max3A [1] : vector<1x10xf32> to vector<1xf32>
    %broadcast_in_dim3A_24 = vector.shape_cast %reduce_max3A_23 : vector<1xf32> to vector<1x1xf32>
    %sub3A = vector.broadcast %broadcast_in_dim3A_24 : vector<1x1xf32> to vector<1x10xf32>
    %sub3A_25 = arith.subf %add3A_22, %sub3A : vector<1x10xf32>
    %exp3A = math.exp %sub3A_25 : vector<1x10xf32>
    %reduce_sum3A_26 = arith.constant dense<0.000000e+00> : vector<1xf32>
    %reduce_sum3A_27 = vector.multi_reduction <add>, %exp3A, %reduce_sum3A_26 [1] : vector<1x10xf32> to vector<1xf32>
    %broadcast_in_dim3A_28 = vector.shape_cast %reduce_sum3A_27 : vector<1xf32> to vector<1x1xf32>
    %div3A = vector.broadcast %broadcast_in_dim3A_28 : vector<1x1xf32> to vector<1x10xf32>
    %div3A_29 = arith.divf %exp3A, %div3A : vector<1x10xf32>
    %swap3A = arith.constant 0 : index
    %swap3A_30 = arith.constant 0 : index
    %swap3A_31 = vector.load %arg5[%swap3A, %swap3A_30] : memref<1x10xf32, #tpu.memory_space<vmem>>, vector<1x10xf32>
    tpu.vector_store %arg5[%swap3A, %swap3A_30], %div3A_29 {strides = array<i32>} : memref<1x10xf32, #tpu.memory_space<vmem>>, vector<1x10xf32>,
    return
  }
}

</mosaic_0001>

<sc_bundles>
// kernel: kernel.12.cloned.1.call-start
scs
__scs_entry_jumppad:
0x0: {  	(pc) =	sbr.rel $0x88, $3  }
0x1: {  	(tag) =	ssettag $0x0;
	lr =	simm.s32 $0x1  }
0x2: {  	[smem:$0x3F8F] =	sst lr;
	_ =	strace $0xD0000000  }
0x3: {  	_ = 	snop  }
0x4: {  	_ = 	snop  }
0x5: {  	_ = 	snop  }
0x6: {  	_ = 	snop  }
0x7: {  	_ = 	snop  }
__scs_overlays_trampoline_lowered:
0x8: {  	[smem:$0x3F9E] =	sst s0  }
0x9: {  	[smem:$0x3F9F] =	sst s1  }
0xa: {  	[smem:$0x3FA0] =	sst s2  }
0xb: {  	[smem:$0x3FA1] =	sst s3  }
0xc: {  	[smem:$0x3FA2] =	sst s4  }
0xd: {  	[smem:$0x3FA3] =	sst s5  }
0xe: {  	[smem:$0x3FA4] =	sst s6  }
0xf: {  	[smem:$0x3FA5] =	sst s7  }
0x10: {  	[smem:$0x3FA6] =	sst s8  }
0x11: {  	[smem:$0x3FA7] =	sst s9;
	s0 =	simm.s32 @!p0 $0x0  }
0x12: {  	s1 =	sld [smem:$0x3F8D];
	s0 =	simm.s32 @p0 $0x1  }
0x13: {  	[smem:$0x3FA8] =	sst s0;
	s0 =	simm.s32 @!p1 $0x0  }
0x14: {  	s2 =	sld [smem:$0x3F8C];
	s0 =	simm.s32 @p1 $0x1  }
0x15: {  	[smem:$0x3FA9] =	sst s0;
	s0 =	simm.s32 @!p2 $0x0  }
0x16: {  	s3 =	sld [smem:$0x3FDB];
	s0 =	simm.s32 @p2 $0x1  }
0x17: {  	s4 =	simm.s32 $0x1BF5;
	[smem:$0x3FAB] =	sst s0  }
0x18: {  	s0 =	sld [smem:$0x3F8E];
	_ =	swait.ge [sflag:s4], $0x0  }
0x19: {  	s7 =	sld [smem:$0x3F8F]  }
0x1a: {  	s8 =	sadd.s32 $0xFFFFE003, lr  }
0x1b: {  	s9 =	sadd.s32 $0xFFFFFEF7, lr;
	s5 =	simm.s32 $0xFFFFFFFF;
	p2 =	slt.u32 s8, $0xFFFFF086  }
0x1c: {  	p1 =	slt.u32 s9, $0xF7A;
	s5 =	simm.s32 @!p2 $0x0  }
0x1d: {  	s5 =	simm.s32 @p1 $0x1;
	p0 =	seq.s32 s7, s2  }
0x1e: {  	s7 =	smul.u32 @!p0 $0xF7A, s2;
	p2 =	seq.s32 @!p0 s5, $0x0  }
0x1f: {  	s9 =	smul.u32 $0xF7A, s1;
	s8 =	simm.s32 @!p0 $0x1BF5;
	p2 =	por !p2, p0  }
0x20: {  	[sflag:s8] =	ssyncset.s32 @!p0 $0xFFFFF086;
	s6 =	sadd.s32 @!p0 s3, s7;
	s7 =	simm.s32 @!p0 $0x108  }
0x21: {  	s3 =	sadd.s32 s3, s9;
	s6 =	sadd.s32 @!p0 $0x88, s6;
	s7 =	simm.s32 @p2 $0x1082  }
0x22: {  	[simem:s7], [sflag:s8] =	dma.local @!p0 [hbm:s6], $0xF7A  }
0x23: {  	s9 =	sor.u32 $0xD0000000, s2;
	s6 =	simm.s32 $0x108;
	_ =	swait.ge @!p0 [sflag:s8], $0x0  }
0x24: {  	s3 =	sadd.s32 $0x88, s3;
	s6 =	simm.s32 @!p1 $0x1082;
	[sflag:s4] =	ssyncset.s32 $0xFFFFF086  }
0x25: {  	[simem:s6], [sflag:s4] =	dma.local [hbm:s3], $0xF7A  }
0x26: {  	[smem:$0x3F8F] =	sst s1;
	(tag) =	ssettag s2;
	_ =	strace s9  }
0x27: {  	s1 =	sld [smem:$0x3F9F]  }
0x28: {  	s2 =	sld [smem:$0x3FA0]  }
0x29: {  	s4 =	sld [smem:$0x3FA2]  }
0x2a: {  	p0 =	seq.s32 s5, $0x0;
	s5 =	sld [smem:$0x3FA3]  }
0x2b: {  	s6 =	sld [smem:$0x3FA4]  }
0x2c: {  	s7 =	sld [smem:$0x3FA5]  }
0x2d: {  	s3 =	simm.s32 $0x108;
	s8 =	sld [smem:$0x3FA6]  }
0x2e: {  	s3 =	simm.s32 @!p0 $0x1082;
	s9 =	sld [smem:$0x3FA7]  }
0x2f: {  	lr =	sadd.s32 s0, s3;
	s0 =	sld [smem:$0x3F9E]  }
0x30: {  	s3 =	sld [smem:$0x3FA1]  }
0x31: {  	[smem:$0x3FAA] =	sst s10  }
0x32: {  	s10 =	sld [smem:$0x3FA8];
	_ =	sdelay $0x3  }
0x33: {  	p0 =	seq.s32 s10, $0x1;
	s10 =	sld [smem:$0x3FAA];
	_ =	sdelay $0x3  }
0x34: {  	[smem:$0x3FAA] =	sst s10  }
0x35: {  	s10 =	sld [smem:$0x3FA9];
	_ =	sdelay $0x3  }
0x36: {  	p1 =	seq.s32 s10, $0x1;
	s10 =	sld [smem:$0x3FAA];
	_ =	sdelay $0x3  }
0x37: {  	[smem:$0x3FAA] =	sst s10  }
0x38: {  	s10 =	sld [smem:$0x3FAB]  }
0x39: {  	_ = 	snop;
	(pc) =	sbr.ind lr, $3  }
0x3a: {  	_ = 	snop  }
0x3b: {  	_ = 	snop  }
0x3c: {  	p2 =	seq.s32 s10, $0x1;
	s10 =	sld [smem:$0x3FAA]  }
0x3d: {  	_ =	shalt  }
0x3e: {  	_ =	shalt  }
0x3f: {  	_ =	shalt  }
0x40: {  	_ =	shalt  }
0x41: {  	_ =	shalt  }
0x42: {  	_ =	shalt  }
0x43: {  	_ =	shalt  }
0x44: {  	_ =	shalt  }
0x45: {  	_ =	shalt  }
0x46: {  	_ =	shalt  }
0x47: {  	_ =	shalt  }
0x48: {  	_ =	shalt  }
0x49: {  	_ =	shalt  }
0x4a: {  	_ =	shalt  }
0x4b: {  	_ =	shalt  }
0x4c: {  	_ =	shalt  }
0x4d: {  	_ =	shalt  }
0x4e: {  	_ =	shalt  }
0x4f: {  	_ =	shalt  }
0x50: {  	_ =	shalt  }
0x51: {  	_ =	shalt  }
0x52: {  	_ =	shalt  }
0x53: {  	_ =	shalt  }
0x54: {  	_ =	shalt  }
0x55: {  	_ =	shalt  }
0x56: {  	_ =	shalt  }
0x57: {  	_ =	shalt  }
0x58: {  	_ =	shalt  }
0x59: {  	_ =	shalt  }
0x5a: {  	_ =	shalt  }
0x5b: {  	_ =	shalt  }
0x5c: {  	_ =	shalt  }
0x5d: {  	_ =	shalt  }
0x5e: {  	_ =	shalt  }
0x5f: {  	_ =	shalt  }
0x60: {  	_ =	shalt  }
0x61: {  	_ =	shalt  }
0x62: {  	_ =	shalt  }
0x63: {  	_ =	shalt  }
0x64: {  	_ =	shalt  }
0x65: {  	_ =	shalt  }
0x66: {  	_ =	shalt  }
0x67: {  	_ =	shalt  }
0x68: {  	_ =	shalt  }
0x69: {  	_ =	shalt  }
0x6a: {  	_ =	shalt  }
0x6b: {  	_ =	shalt  }
0x6c: {  	_ =	shalt  }
0x6d: {  	_ =	shalt  }
0x6e: {  	_ =	shalt  }
0x6f: {  	_ =	shalt  }
0x70: {  	_ =	shalt  }
0x71: {  	_ =	shalt  }
0x72: {  	_ =	shalt  }
0x73: {  	_ =	shalt  }
0x74: {  	_ =	shalt  }
0x75: {  	_ =	shalt  }
0x76: {  	_ =	shalt  }
0x77: {  	_ =	shalt  }
0x78: {  	_ =	shalt  }
0x79: {  	_ =	shalt  }
0x7a: {  	_ =	shalt  }
0x7b: {  	_ =	shalt  }
0x7c: {  	_ =	shalt  }
0x7d: {  	_ =	shalt  }
0x7e: {  	_ =	shalt  }
0x7f: {  	_ =	shalt  }
0x80: {  	_ =	shalt  }
0x81: {  	_ =	shalt  }
0x82: {  	_ =	shalt  }
0x83: {  	_ =	shalt  }
0x84: {  	_ =	shalt  }
0x85: {  	_ =	shalt  }
0x86: {  	_ =	shalt  }
0x87: {  	_ =	shalt  }
.Lfunc_end0:
.L_simem_size_0:
called_computation.1_lowered:
.L_overlay_start_0:
0x88: {  	s2 =	sld [smem:$0x3FD9]  }
0x89: {  	s3 =	sld [smem:$0x3FFE];
	_ =	sdelay $0x1  }
0x8a: {  	s1 =	srdreg.scid  }
0x8b: {  	s0 =	sand.u32 $0x1, s1  }
0x8c: {  	s16 =	sshll.u32 s0, $0xA;
	s2 =	sadd.s32 s3, s2  }
0x8d: {  	s2 =	sadd.s32 s2, s16  }
0x8e: {  	[smem:$0x3FB6] =	sst s2  }
0x8f: {  	_ = 	snop  }
0x90: {  	(tm) =	ssettm $0x1  }
0x91: {  	s17 =	sld [smem:$0x3FFB];
	_ =	sdelay $0x3  }
0x92: {  	_ =	strace s17  }
0x93: {  	s2 =	sld [smem:$0x3FFC];
	_ =	sdelay $0x3  }
0x94: {  	_ =	strace s2  }
0x95: {  	s2 =	sld [smem:$0x3FFD];
	_ =	sdelay $0x3  }
0x96: {  	_ =	strace s2  }
0x97: {  	_ =	strace $0x8FFFFFFF  }
0x98: {  	s18 =	sld [smem:$0x3FDB];
	_ =	sdelay $0x1  }
0x99: {  	s19 =	simm.s32 $_scs_section_size  }
0x9a: {  	s4 =	simm.s32 $_size__tile_overlayer_lowered;
	s5 =	simm.s32 $_tile_overlayer_lowered  }
0x9b: {  	s22 =	simm.s32 $0x1BFF;
	s21 =	sshll.u32 s5, $0x1;
	s2 =	sadd.s32 s19, s18  }
0x9c: {  	s6 =	simm.s32 $0x0;
	s20 =	sshll.u32 s4, $0x1;
	s4 =	sadd.s32 s21, s2  }
0x9d: {  	[timem:s6], [sflag:s22] =	dma.local [hbm:s4], s20  }
0x9e: {  	_ =	swait.ge [sflag:s22], s20  }
0x9f: {  	s3 =	ssub.s32 $0x0, s20;
	[sflag:s22] =	ssyncset.done $0x0  }
0xa0: {  	[sflag:s22] =	ssyncadd.s32 s3;
	_ =	sdelay $0x1  }
0xa1: {  	s23 =	simm.s32 $0x1B8B  }
0xa2: {  	_ =	swait.ge [sflag:s23], $0x1  }
0xa3: {  	[sflag:s23] =	ssyncset.done $0x0  }
0xa4: {  	s25 =	simm.s32 $0x1B8E;
	s24 =	sld [smem:$0x3FFE];
	[sflag:s23] =	ssyncadd.s32 $0xFFFFFFFF  }
0xa5: {  	s26 =	simm.s32 $execute0_lowered;
	[smem:$0x3FD2] =	sst s25  }
0xa6: {  	s4 =	sshll.u32 s26, $0x1;
	_ =	strace $0x80000049;
	[dreg:$0x1] =	wrdreg $0xFFFFFFFF  }
0xa7: {  	s28 =	simm.s32 $_size_execute0_lowered;
	s2 =	sadd.s32 s2, s4;
	[dreg:$0x0] =	wrdreg $0x0  }
0xa8: {  	s4 =	sshll.u32 s28, $0x1;
	[dreg:$0x2] =	wrdreg s2  }
0xa9: {  	[dreg:$0x3] =	wrdreg s4  }
0xaa: {  	[dreg:$0x4] =	wrdreg $0xC0  }
0xab: {  	_ =	task [dreg:s6], $0x5FFFF  }
0xac: {  	[dreg:$0x1] =	wrdreg $0xFFFFFFFF  }
0xad: {  	[dreg:$0x0] =	wrdreg $0x60  }
0xae: {  	[dreg:$0x2] =	wrdreg s24  }
0xaf: {  	[dreg:$0x3] =	wrdreg $0x9  }
0xb0: {  	_ =	task.clear_ibuf [dreg:s6], $0x4FFFF;
	_ =	strace $0x90000049  }
0xb1: {  	s29 =	simm.s32 $0x9;
	_ =	strace $0x8000004B  }
0xb2: {  	_ =	swait.ge [sflag:s29], $0x1  }
0xb3: {  	[sflag:s29] =	ssyncadd.s32 $0xFFFFFFFF  }
0xb4: {  	_ =	strace $0x9000004B  }
0xb5: {  	_ =	sfence  }
0xb6: {  	s30 =	sld [smem:$0x0];
	_ =	sdelay $0x2  }
0xb7: {  	s31 =	sshll.u32 s1, $0xD;
	s1 =	sshrl.u32 s1, $0x2  }
0xb8: {  	s3 =	sand.u32 $0x4000, s31;
	s1 =	sadd.s32 s1, s30  }
0xb9: {  	s0 =	sor.u32 s3, s0;
	s1 =	sshll.u32 s1, $0x11  }
0xba: {  	s0 =	sor.u32 s1, s0  }
0xbb: {  	s0 =	sadd.s32 $0x8F2B, s0  }
0xbc: {  	[sflag:s0] =	ssyncadd.remote.s32 $0x1  }
0xbd: {  	_ =	sfence.sel $0xFFFF  }
0xbe: {  	[dreg:$0x0] =	wrdreg $0xFFFFFFFF;
	(pc) =	sbr.abs _section_cstart, $3  }
0xbf: {  	[dreg:$0x1] =	wrdreg $0xFFFFFFFF  }
0xc0: {  	_ =	task.clear_ibuf [dreg:s6], $0x2FFFF;
	_ =	strace $0x9FFFFFFF  }
0xc1: {  	(tm) =	ssettm $0x7FFFFFFF  }
tec
execute0_lowered:
.L_overlay_start_1:
0x0: {  	(tag) =	ssettag $0x1  }
0x1: {  	s0 =	srdreg.scid;
	s4 =	rddreg [dreg:$0x0]  }
0x2: {  	s2 =	simm.s32 $0x0;
	s8 =	simm.s32 $0x13900;
	s3 =	sand.u32 $0x1, s0  }
0x3: {  	s9 =	simm.s32 $0x9C80;
	s0 =	stileid.u32;
	s1 =	sshll.u32 s3, $0x4  }
0x4: {  	s10 =	simm.s32 $0x0;
	[smem:$0x7FF] =	sst s2;
	s5 =	sor.u32 s0, s1  }
0x5: {  	s6 =	ssub.s32 $0x2, s3;
	s3 =	sadd.s32 $0x2800, s4;
	s5 =	smul.u32 $0x1388, s5  }
0x6: {  	s1 =	rddreg [dreg:$0x1];
	_ =	strace $0x8000004A;
	s7 =	sshrl.u32 s6, $0x1  }
0x7: {  	s6 =	ssub.s32 s6, s7;
	s7 =	simm.s32 $0x1;
	s5 =	sadd.s32 s5, s4  }
0x8: {  	v0 =	vimm.f32 $0.0e+00;
	s6 =	smax.u32 s6, $0x1;
	s4 =	sadd.s32 $0xC600, s5;
	s5 =	sadd.s32 $0x33800, s5  }
.LBB2_1:
0x9: {  	[tilespmem:s2], [sflag:$0x1] =	stream.linear.gather [hbm4b:s4+s2], $0x9C40, $0x38;
	[tilespmem:$0x1D580] =	vst v63  }
0xa: {  	_ =	swait.ge [sflag:s7], $0x9C40  }
0xb: {  	[sflag:s7] =	ssyncset.done $0x0  }
0xc: {  	s11 =	simm.s32 $0x40;
	s12 =	simm.s32 $0x0;
	[sflag:s7] =	ssyncadd.s32 $0xFFFF63C0  }
.LBB2_2:
0xd: {  	p0 =	sne.s32 s11, $0x270C0;
	[tilespmem:s12+$0x9C80] =	vst v0;
	s12 =	smov.u32 s11;
	s11 =	sadd.s32 $0x40, s11  }
.Ltmp0:
0xe: {  	(pc) =	sbr.rel @p0 .LBB2_2-.Ltmp0, $2  }
0xf: {  	_ =	sdelay $0x2  }
0x10: {  	s12 =	sshra.s32 s12, $0x2  }
0x11: {  	[tilespmem:s12+$0x9C80] =	vst v0;
	s11 =	simm.s32 $0x0;
	s12 =	simm.s32 $0x0  }
.LBB2_4:
0x12: {  	s13 =	smul.u32 $0x1388, s12;
	_ =	sdelay $0x1  }
0x13: {  	s13 =	sadd.s32 s3, s13  }
0x14: {  	[tilespmem:s8], [sflag:$0x1] =	stream.linear.gather [hbm4b:s13+s11], $0x9C40, $0x38;
	[tilespmem:$0x1D580] =	vst v63  }
0x15: {  	_ =	swait.ge [sflag:s7], $0x9C40  }
0x16: {  	[sflag:s7] =	ssyncset.done $0x0  }
0x17: {  	s31 =	simm.s32 $0x0;
	[sflag:s7] =	ssyncadd.s32 $0xFFFF63C0  }
0x18: {  	v1 =	vld [tilespmem:s31+$0x13900];
	_ =	sdelay $0x4  }
0x19: {  	v2 =	vand.u32 $0xFFFF, v1;
	_ =	sdelay $0x4  }
0x1a: {  	v4 =	vshrl.u32 v1, $0x10;
	v3 =	vld.idx.msk [tilespmem:v2+s2+$0x0], $0xffff  }
0x1b: {  	v1 =	vadd.s32 $0x2710, v2;
	_ =	sdelay $0x3  }
0x1c: {  	[tilespmem:v4+s9+$0x0] =	vst.idx.add.f32.msk $0xffff, v3  }
0x1d: {  	v3 =	vadd.s32 $0x2710, v4;
	v1 =	vld.idx.msk [tilespmem:v1+s2+$0x0], $0xffff  }
0x1e: {  	v5 =	vadd.s32 $0x4E20, v2;
	_ =	sdelay $0x3  }
0x1f: {  	[tilespmem:v3+s9+$0x0] =	vst.idx.add.f32.msk $0xffff, v1  }
0x20: {  	v3 =	vadd.s32 $0x4E20, v4;
	v1 =	vld.idx.msk [tilespmem:v5+s2+$0x0], $0xffff  }
0x21: {  	v2 =	vadd.s32 $0x7530, v2;
	_ =	sdelay $0x3  }
0x22: {  	[tilespmem:v3+s9+$0x0] =	vst.idx.add.f32.msk $0xffff, v1  }
0x23: {  	s14 =	simm.s32 $0x80;
	s13 =	simm.s32 $0x40;
	v1 =	vld.idx.msk [tilespmem:v2+s2+$0x0], $0xffff;
	v2 =	vadd.s32 $0x7530, v4  }
.LBB2_5:
0x24: {  	_ =	sdelay $0x2  }
0x25: {  	p0 =	sne.s32 s14, $0x270C0  }
0x26: {  	s15 =	sshra.s32 s13, $0x2;
	s13 =	smov.u32 s14;
	s14 =	sadd.s32 $0x40, s14;
	[tilespmem:v2+s9+$0x0] =	vst.idx.add.f32.msk $0xffff, v1  }
0x27: {  	v1 =	vld [tilespmem:s15+$0x13900];
	_ =	sdelay $0x4  }
0x28: {  	v2 =	vand.u32 $0xFFFF, v1;
	_ =	sdelay $0x4  }
0x29: {  	v3 =	vld.idx.msk [tilespmem:v2+s2+$0x0], $0xffff  }
0x2a: {  	v4 =	vshrl.u32 v1, $0x10  }
0x2b: {  	v1 =	vadd.s32 $0x2710, v2;
	_ =	sdelay $0x3  }
0x2c: {  	[tilespmem:v4+s9+$0x0] =	vst.idx.add.f32.msk $0xffff, v3  }
0x2d: {  	v1 =	vld.idx.msk [tilespmem:v1+s2+$0x0], $0xffff  }
0x2e: {  	v3 =	vadd.s32 $0x2710, v4  }
0x2f: {  	v5 =	vadd.s32 $0x4E20, v2;
	_ =	sdelay $0x3  }
0x30: {  	[tilespmem:v3+s9+$0x0] =	vst.idx.add.f32.msk $0xffff, v1  }
0x31: {  	v1 =	vld.idx.msk [tilespmem:v5+s2+$0x0], $0xffff  }
0x32: {  	v3 =	vadd.s32 $0x4E20, v4  }
0x33: {  	v2 =	vadd.s32 $0x7530, v2;
	_ =	sdelay $0x1  }
.Ltmp1:
0x34: {  	(pc) =	sbr.rel @p0 .LBB2_5-.Ltmp1, $4  }
0x35: {  	_ = 	snop  }
0x36: {  	[tilespmem:v3+s9+$0x0] =	vst.idx.add.f32.msk $0xffff, v1  }
0x37: {  	v1 =	vld.idx.msk [tilespmem:v2+s2+$0x0], $0xffff  }
0x38: {  	v2 =	vadd.s32 $0x7530, v4  }
0x39: {  	_ =	sdelay $0x3  }
0x3a: {  	s13 =	sshra.s32 s13, $0x2;
	[tilespmem:v2+s9+$0x0] =	vst.idx.add.f32.msk $0xffff, v1  }
0x3b: {  	v1 =	vld [tilespmem:s13+$0x13900];
	_ =	sdelay $0x4  }
0x3c: {  	v2 =	vand.u32 $0xFFFF, v1;
	_ =	sdelay $0x4  }
0x3d: {  	v1 =	vshrl.u32 v1, $0x10;
	v3 =	vld.idx.msk [tilespmem:v2+s2+$0x0], $0xffff  }
0x3e: {  	v4 =	vadd.s32 $0x2710, v2;
	_ =	sdelay $0x3  }
0x3f: {  	[tilespmem:v1+s9+$0x0] =	vst.idx.add.f32.msk $0xffff, v3  }
0x40: {  	v62 =	vadd.s32 $0x2710, v1;
	v3 =	vld.idx.msk [tilespmem:v4+s2+$0x0], $0xffff  }
0x41: {  	v5 =	vadd.s32 $0x4E20, v2;
	_ =	sdelay $0x3  }
0x42: {  	[tilespmem:v62+s9+$0x0] =	vst.idx.add.f32.msk $0xffff, v3  }
0x43: {  	v63 =	vadd.s32 $0x4E20, v1;
	v3 =	vld.idx.msk [tilespmem:v5+s2+$0x0], $0xffff  }
0x44: {  	v2 =	vadd.s32 $0x7530, v2;
	_ =	sdelay $0x3  }
0x45: {  	s12 =	sadd.s32 $0x1, s12;
	[tilespmem:v63+s9+$0x0] =	vst.idx.add.f32.msk $0xffff, v3  }
0x46: {  	p0 =	sne.s32 s12, $0x8;
	v1 =	vadd.s32 $0x7530, v1;
	v2 =	vld.idx.msk [tilespmem:v2+s2+$0x0], $0xffff  }
.Ltmp2:
0x47: {  	_ = 	snop;
	(pc) =	sbr.rel @p0 .LBB2_4-.Ltmp2, $2  }
0x48: {  	_ =	sdelay $0x2  }
0x49: {  	[tilespmem:v1+s9+$0x0] =	vst.idx.add.f32.msk $0xffff, v2  }
0x4a: {  	s10 =	sadd.s32 $0x1, s10  }
0x4b: {  	p0 =	sne.s32 s10, s6  }
.Ltmp3:
0x4c: {  	_ = 	snop;
	(pc) =	sbr.rel @p0 .LBB2_1-.Ltmp3, $4  }
0x4d: {  	[hbm4b:s5+s2] =	stream.linear.scatter [tilespmem:s9], [sflag:$0x1], $0x9C40, $0x38;
	[tilespmem:$0x1D580] =	vst v63  }
0x4e: {  	_ =	swait.ge [sflag:s7], $0x9C40  }
0x4f: {  	[sflag:s7] =	ssyncset.done $0x0  }
0x50: {  	[sflag:s7] =	ssyncadd.s32 $0xFFFF63C0  }
0x51: {  	_ =	sfence.sel $0x180000  }
0x52: {  	[bflag:$0x0] =	sbarrier.arrive $0xFFFF  }
0x53: {  	p0 =	sne.s32 s0, $0x0;
	_ =	strace $0x9000004A  }
0x54: {  	s0 =	sadd.s32 @!p0 $0x100000, s1;
	[bflag:$0x2] =	sbarrier.arrive $0xFFFF  }
0x55: {  	[sflag:s0] =	ssyncadd.tile.s32 @!p0 $0x1;
	_ =	shalt  }
.Lfunc_end2:
_tile_overlayer_lowered:
.L_overlay_start_2:
0x56: {  	(tag) =	ssettag $0x2  }
0x57: {  	s0 =	rddreg [dreg:$0x0];
	s2 =	stileid.u32  }
0x58: {  	s1 =	rddreg [dreg:$0x1];
	p0 =	sne.s32 s2, $0x0  }
0x59: {  	s3 =	rddreg [dreg:$0x2];
	[bflag:$0x3] =	sbarrier.arrive $0xFFFF;
	s2 =	simm.s32 @!p0 $0x1C01  }
0x5a: {  	[timem:s3], [sflag:s2] =	dma.local @!p0 [hbm:s0], s1  }
0x5b: {  	s0 =	simm.s32 @!p0 $0x1  }
0x5c: {  	_ =	swait.ge @!p0 [sflag:s0], s1  }
0x5d: {  	s1 =	ssub.s32 @!p0 $0x0, s1;
	[sflag:s0] =	ssyncset.done @!p0 $0x0  }
0x5e: {  	[sflag:s0] =	ssyncadd.s32 @!p0 s1  }
0x5f: {  	[bflag:$0x3] =	sbarrier.arrive $0xFFFF  }
0x60: {  	_ =	shalt  }

// kernel: kernel.15.cloned.1.call-start
scs
__scs_entry_jumppad:
0x0: {  	(pc) =	sbr.rel $0x88, $3  }
0x1: {  	(tag) =	ssettag $0x0;
	lr =	simm.s32 $0x1  }
0x2: {  	[smem:$0x3F8F] =	sst lr;
	_ =	strace $0xD0000000  }
0x3: {  	_ = 	snop  }
0x4: {  	_ = 	snop  }
0x5: {  	_ = 	snop  }
0x6: {  	_ = 	snop  }
0x7: {  	_ = 	snop  }
__scs_overlays_trampoline_lowered:
0x8: {  	[smem:$0x3F9E] =	sst s0  }
0x9: {  	[smem:$0x3F9F] =	sst s1  }
0xa: {  	[smem:$0x3FA0] =	sst s2  }
0xb: {  	[smem:$0x3FA1] =	sst s3  }
0xc: {  	[smem:$0x3FA2] =	sst s4  }
0xd: {  	[smem:$0x3FA3] =	sst s5  }
0xe: {  	[smem:$0x3FA4] =	sst s6  }
0xf: {  	[smem:$0x3FA5] =	sst s7  }
0x10: {  	[smem:$0x3FA6] =	sst s8  }
0x11: {  	[smem:$0x3FA7] =	sst s9;
	s0 =	simm.s32 @!p0 $0x0  }
0x12: {  	s1 =	sld [smem:$0x3F8D];
	s0 =	simm.s32 @p0 $0x1  }
0x13: {  	[smem:$0x3FA8] =	sst s0;
	s0 =	simm.s32 @!p1 $0x0  }
0x14: {  	s2 =	sld [smem:$0x3F8C];
	s0 =	simm.s32 @p1 $0x1  }
0x15: {  	[smem:$0x3FA9] =	sst s0;
	s0 =	simm.s32 @!p2 $0x0  }
0x16: {  	s3 =	sld [smem:$0x3FDB];
	s0 =	simm.s32 @p2 $0x1  }
0x17: {  	s4 =	simm.s32 $0x1BF5;
	[smem:$0x3FAB] =	sst s0  }
0x18: {  	s0 =	sld [smem:$0x3F8E];
	_ =	swait.ge [sflag:s4], $0x0  }
0x19: {  	s7 =	sld [smem:$0x3F8F]  }
0x1a: {  	s8 =	sadd.s32 $0xFFFFE003, lr  }
0x1b: {  	s9 =	sadd.s32 $0xFFFFFEF7, lr;
	s5 =	simm.s32 $0xFFFFFFFF;
	p2 =	slt.u32 s8, $0xFFFFF086  }
0x1c: {  	p1 =	slt.u32 s9, $0xF7A;
	s5 =	simm.s32 @!p2 $0x0  }
0x1d: {  	s5 =	simm.s32 @p1 $0x1;
	p0 =	seq.s32 s7, s2  }
0x1e: {  	s7 =	smul.u32 @!p0 $0xF7A, s2;
	p2 =	seq.s32 @!p0 s5, $0x0  }
0x1f: {  	s9 =	smul.u32 $0xF7A, s1;
	s8 =	simm.s32 @!p0 $0x1BF5;
	p2 =	por !p2, p0  }
0x20: {  	[sflag:s8] =	ssyncset.s32 @!p0 $0xFFFFF086;
	s6 =	sadd.s32 @!p0 s3, s7;
	s7 =	simm.s32 @!p0 $0x108  }
0x21: {  	s3 =	sadd.s32 s3, s9;
	s6 =	sadd.s32 @!p0 $0x88, s6;
	s7 =	simm.s32 @p2 $0x1082  }
0x22: {  	[simem:s7], [sflag:s8] =	dma.local @!p0 [hbm:s6], $0xF7A  }
0x23: {  	s9 =	sor.u32 $0xD0000000, s2;
	s6 =	simm.s32 $0x108;
	_ =	swait.ge @!p0 [sflag:s8], $0x0  }
0x24: {  	s3 =	sadd.s32 $0x88, s3;
	s6 =	simm.s32 @!p1 $0x1082;
	[sflag:s4] =	ssyncset.s32 $0xFFFFF086  }
0x25: {  	[simem:s6], [sflag:s4] =	dma.local [hbm:s3], $0xF7A  }
0x26: {  	[smem:$0x3F8F] =	sst s1;
	(tag) =	ssettag s2;
	_ =	strace s9  }
0x27: {  	s1 =	sld [smem:$0x3F9F]  }
0x28: {  	s2 =	sld [smem:$0x3FA0]  }
0x29: {  	s4 =	sld [smem:$0x3FA2]  }
0x2a: {  	p0 =	seq.s32 s5, $0x0;
	s5 =	sld [smem:$0x3FA3]  }
0x2b: {  	s6 =	sld [smem:$0x3FA4]  }
0x2c: {  	s7 =	sld [smem:$0x3FA5]  }
0x2d: {  	s3 =	simm.s32 $0x108;
	s8 =	sld [smem:$0x3FA6]  }
0x2e: {  	s3 =	simm.s32 @!p0 $0x1082;
	s9 =	sld [smem:$0x3FA7]  }
0x2f: {  	lr =	sadd.s32 s0, s3;
	s0 =	sld [smem:$0x3F9E]  }
0x30: {  	s3 =	sld [smem:$0x3FA1]  }
0x31: {  	[smem:$0x3FAA] =	sst s10  }
0x32: {  	s10 =	sld [smem:$0x3FA8];
	_ =	sdelay $0x3  }
0x33: {  	p0 =	seq.s32 s10, $0x1;
	s10 =	sld [smem:$0x3FAA];
	_ =	sdelay $0x3  }
0x34: {  	[smem:$0x3FAA] =	sst s10  }
0x35: {  	s10 =	sld [smem:$0x3FA9];
	_ =	sdelay $0x3  }
0x36: {  	p1 =	seq.s32 s10, $0x1;
	s10 =	sld [smem:$0x3FAA];
	_ =	sdelay $0x3  }
0x37: {  	[smem:$0x3FAA] =	sst s10  }
0x38: {  	s10 =	sld [smem:$0x3FAB]  }
0x39: {  	_ = 	snop;
	(pc) =	sbr.ind lr, $3  }
0x3a: {  	_ = 	snop  }
0x3b: {  	_ = 	snop  }
0x3c: {  	p2 =	seq.s32 s10, $0x1;
	s10 =	sld [smem:$0x3FAA]  }
0x3d: {  	_ =	shalt  }
0x3e: {  	_ =	shalt  }
0x3f: {  	_ =	shalt  }
0x40: {  	_ =	shalt  }
0x41: {  	_ =	shalt  }
0x42: {  	_ =	shalt  }
0x43: {  	_ =	shalt  }
0x44: {  	_ =	shalt  }
0x45: {  	_ =	shalt  }
0x46: {  	_ =	shalt  }
0x47: {  	_ =	shalt  }
0x48: {  	_ =	shalt  }
0x49: {  	_ =	shalt  }
0x4a: {  	_ =	shalt  }
0x4b: {  	_ =	shalt  }
0x4c: {  	_ =	shalt  }
0x4d: {  	_ =	shalt  }
0x4e: {  	_ =	shalt  }
0x4f: {  	_ =	shalt  }
0x50: {  	_ =	shalt  }
0x51: {  	_ =	shalt  }
0x52: {  	_ =	shalt  }
0x53: {  	_ =	shalt  }
0x54: {  	_ =	shalt  }
0x55: {  	_ =	shalt  }
0x56: {  	_ =	shalt  }
0x57: {  	_ =	shalt  }
0x58: {  	_ =	shalt  }
0x59: {  	_ =	shalt  }
0x5a: {  	_ =	shalt  }
0x5b: {  	_ =	shalt  }
0x5c: {  	_ =	shalt  }
0x5d: {  	_ =	shalt  }
0x5e: {  	_ =	shalt  }
0x5f: {  	_ =	shalt  }
0x60: {  	_ =	shalt  }
0x61: {  	_ =	shalt  }
0x62: {  	_ =	shalt  }
0x63: {  	_ =	shalt  }
0x64: {  	_ =	shalt  }
0x65: {  	_ =	shalt  }
0x66: {  	_ =	shalt  }
0x67: {  	_ =	shalt  }
0x68: {  	_ =	shalt  }
0x69: {  	_ =	shalt  }
0x6a: {  	_ =	shalt  }
0x6b: {  	_ =	shalt  }
0x6c: {  	_ =	shalt  }
0x6d: {  	_ =	shalt  }
0x6e: {  	_ =	shalt  }
0x6f: {  	_ =	shalt  }
0x70: {  	_ =	shalt  }
0x71: {  	_ =	shalt  }
0x72: {  	_ =	shalt  }
0x73: {  	_ =	shalt  }
0x74: {  	_ =	shalt  }
0x75: {  	_ =	shalt  }
0x76: {  	_ =	shalt  }
0x77: {  	_ =	shalt  }
0x78: {  	_ =	shalt  }
0x79: {  	_ =	shalt  }
0x7a: {  	_ =	shalt  }
0x7b: {  	_ =	shalt  }
0x7c: {  	_ =	shalt  }
0x7d: {  	_ =	shalt  }
0x7e: {  	_ =	shalt  }
0x7f: {  	_ =	shalt  }
0x80: {  	_ =	shalt  }
0x81: {  	_ =	shalt  }
0x82: {  	_ =	shalt  }
0x83: {  	_ =	shalt  }
0x84: {  	_ =	shalt  }
0x85: {  	_ =	shalt  }
0x86: {  	_ =	shalt  }
0x87: {  	_ =	shalt  }
.Lfunc_end0:
.L_simem_size_0:
called_computation.2_lowered:
.L_overlay_start_0:
0x88: {  	s2 =	sld [smem:$0x3FD9]  }
0x89: {  	s3 =	sld [smem:$0x3FFE];
	_ =	sdelay $0x1  }
0x8a: {  	s1 =	srdreg.scid  }
0x8b: {  	s0 =	sand.u32 $0x1, s1  }
0x8c: {  	s16 =	sshll.u32 s0, $0xA;
	s2 =	sadd.s32 s3, s2  }
0x8d: {  	s2 =	sadd.s32 s2, s16  }
0x8e: {  	[smem:$0x3FB6] =	sst s2  }
0x8f: {  	_ = 	snop  }
0x90: {  	(tm) =	ssettm $0x1  }
0x91: {  	s17 =	sld [smem:$0x3FFB];
	_ =	sdelay $0x3  }
0x92: {  	_ =	strace s17  }
0x93: {  	s2 =	sld [smem:$0x3FFC];
	_ =	sdelay $0x3  }
0x94: {  	_ =	strace s2  }
0x95: {  	s2 =	sld [smem:$0x3FFD];
	_ =	sdelay $0x3  }
0x96: {  	_ =	strace s2  }
0x97: {  	_ =	strace $0x8FFFFFFF  }
0x98: {  	s18 =	sld [smem:$0x3FDB];
	_ =	sdelay $0x1  }
0x99: {  	s19 =	simm.s32 $_scs_section_size  }
0x9a: {  	s4 =	simm.s32 $_size__tile_overlayer_lowered;
	s5 =	simm.s32 $_tile_overlayer_lowered  }
0x9b: {  	s22 =	simm.s32 $0x1BFF;
	s21 =	sshll.u32 s5, $0x1;
	s2 =	sadd.s32 s19, s18  }
0x9c: {  	s6 =	simm.s32 $0x0;
	s20 =	sshll.u32 s4, $0x1;
	s4 =	sadd.s32 s21, s2  }
0x9d: {  	[timem:s6], [sflag:s22] =	dma.local [hbm:s4], s20  }
0x9e: {  	_ =	swait.ge [sflag:s22], s20  }
0x9f: {  	s3 =	ssub.s32 $0x0, s20;
	[sflag:s22] =	ssyncset.done $0x0  }
0xa0: {  	[sflag:s22] =	ssyncadd.s32 s3;
	_ =	sdelay $0x1  }
0xa1: {  	s23 =	simm.s32 $0x1B8B  }
0xa2: {  	_ =	swait.ge [sflag:s23], $0x1  }
0xa3: {  	[sflag:s23] =	ssyncset.done $0x0  }
0xa4: {  	s25 =	simm.s32 $0x1B8E;
	s24 =	sld [smem:$0x3FFE];
	[sflag:s23] =	ssyncadd.s32 $0xFFFFFFFF  }
0xa5: {  	s26 =	simm.s32 $execute0_lowered;
	[smem:$0x3FD2] =	sst s25  }
0xa6: {  	s4 =	sshll.u32 s26, $0x1;
	_ =	strace $0x8000004C;
	[dreg:$0x1] =	wrdreg $0xFFFFFFFF  }
0xa7: {  	s28 =	simm.s32 $_size_execute0_lowered;
	s2 =	sadd.s32 s2, s4;
	[dreg:$0x0] =	wrdreg $0x0  }
0xa8: {  	s4 =	sshll.u32 s28, $0x1;
	[dreg:$0x2] =	wrdreg s2  }
0xa9: {  	[dreg:$0x3] =	wrdreg s4  }
0xaa: {  	[dreg:$0x4] =	wrdreg $0xC0  }
0xab: {  	_ =	task [dreg:s6], $0x5FFFF  }
0xac: {  	[dreg:$0x1] =	wrdreg $0xFFFFFFFF  }
0xad: {  	[dreg:$0x0] =	wrdreg $0x60  }
0xae: {  	[dreg:$0x2] =	wrdreg s24  }
0xaf: {  	[dreg:$0x3] =	wrdreg $0x9  }
0xb0: {  	_ =	task.clear_ibuf [dreg:s6], $0x4FFFF;
	_ =	strace $0x9000004C  }
0xb1: {  	s29 =	simm.s32 $0x9;
	_ =	strace $0x8000004E  }
0xb2: {  	_ =	swait.ge [sflag:s29], $0x1  }
0xb3: {  	[sflag:s29] =	ssyncadd.s32 $0xFFFFFFFF  }
0xb4: {  	_ =	strace $0x9000004E  }
0xb5: {  	_ =	sfence  }
0xb6: {  	s30 =	sld [smem:$0x0];
	_ =	sdelay $0x2  }
0xb7: {  	s31 =	sshll.u32 s1, $0xD;
	s1 =	sshrl.u32 s1, $0x2  }
0xb8: {  	s3 =	sand.u32 $0x4000, s31;
	s1 =	sadd.s32 s1, s30  }
0xb9: {  	s0 =	sor.u32 s3, s0;
	s1 =	sshll.u32 s1, $0x11  }
0xba: {  	s0 =	sor.u32 s1, s0  }
0xbb: {  	s0 =	sadd.s32 $0x8F2B, s0  }
0xbc: {  	[sflag:s0] =	ssyncadd.remote.s32 $0x1  }
0xbd: {  	_ =	sfence.sel $0xFFFF  }
0xbe: {  	[dreg:$0x0] =	wrdreg $0xFFFFFFFF;
	(pc) =	sbr.abs _section_cstart, $3  }
0xbf: {  	[dreg:$0x1] =	wrdreg $0xFFFFFFFF  }
0xc0: {  	_ =	task.clear_ibuf [dreg:s6], $0x2FFFF;
	_ =	strace $0x9FFFFFFF  }
0xc1: {  	(tm) =	ssettm $0x7FFFFFFF  }
tec
execute0_lowered:
.L_overlay_start_1:
0x0: {  	(tag) =	ssettag $0x1  }
0x1: {  	s0 =	srdreg.scid;
	s4 =	rddreg [dreg:$0x0]  }
0x2: {  	s2 =	simm.s32 $0x0;
	s8 =	simm.s32 $0x13900;
	s3 =	sand.u32 $0x1, s0  }
0x3: {  	s9 =	simm.s32 $0x9C80;
	s0 =	stileid.u32;
	s1 =	sshll.u32 s3, $0x4  }
0x4: {  	s10 =	simm.s32 $0x0;
	[smem:$0x7FF] =	sst s2;
	s5 =	sor.u32 s0, s1  }
0x5: {  	s6 =	ssub.s32 $0x2, s3;
	s3 =	sadd.s32 $0x2800, s4;
	s5 =	smul.u32 $0x1388, s5  }
0x6: {  	s1 =	rddreg [dreg:$0x1];
	_ =	strace $0x8000004D;
	s7 =	sshrl.u32 s6, $0x1  }
0x7: {  	s6 =	ssub.s32 s6, s7;
	s7 =	simm.s32 $0x1;
	s5 =	sadd.s32 s5, s4  }
0x8: {  	v0 =	vimm.f32 $0.0e+00;
	s6 =	smax.u32 s6, $0x1;
	s4 =	sadd.s32 $0xC600, s5;
	s5 =	sadd.s32 $0x33800, s5  }
.LBB2_1:
0x9: {  	[tilespmem:s2], [sflag:$0x1] =	stream.linear.gather [hbm4b:s4+s2], $0x9C40, $0x38;
	[tilespmem:$0x1D580] =	vst v63  }
0xa: {  	_ =	swait.ge [sflag:s7], $0x9C40  }
0xb: {  	[sflag:s7] =	ssyncset.done $0x0  }
0xc: {  	s11 =	simm.s32 $0x40;
	s12 =	simm.s32 $0x0;
	[sflag:s7] =	ssyncadd.s32 $0xFFFF63C0  }
.LBB2_2:
0xd: {  	p0 =	sne.s32 s11, $0x270C0;
	[tilespmem:s12+$0x9C80] =	vst v0;
	s12 =	smov.u32 s11;
	s11 =	sadd.s32 $0x40, s11  }
.Ltmp0:
0xe: {  	(pc) =	sbr.rel @p0 .LBB2_2-.Ltmp0, $2  }
0xf: {  	_ =	sdelay $0x2  }
0x10: {  	s12 =	sshra.s32 s12, $0x2  }
0x11: {  	[tilespmem:s12+$0x9C80] =	vst v0;
	s11 =	simm.s32 $0x0;
	s12 =	simm.s32 $0x0  }
.LBB2_4:
0x12: {  	s13 =	smul.u32 $0x1388, s12;
	_ =	sdelay $0x1  }
0x13: {  	s13 =	sadd.s32 s3, s13  }
0x14: {  	[tilespmem:s8], [sflag:$0x1] =	stream.linear.gather [hbm4b:s13+s11], $0x9C40, $0x38;
	[tilespmem:$0x1D580] =	vst v63  }
0x15: {  	_ =	swait.ge [sflag:s7], $0x9C40  }
0x16: {  	[sflag:s7] =	ssyncset.done $0x0  }
0x17: {  	s31 =	simm.s32 $0x0;
	[sflag:s7] =	ssyncadd.s32 $0xFFFF63C0  }
0x18: {  	v1 =	vld [tilespmem:s31+$0x13900];
	_ =	sdelay $0x4  }
0x19: {  	v2 =	vand.u32 $0xFFFF, v1;
	_ =	sdelay $0x4  }
0x1a: {  	v4 =	vshrl.u32 v1, $0x10;
	v3 =	vld.idx.msk [tilespmem:v2+s2+$0x0], $0xffff  }
0x1b: {  	v1 =	vadd.s32 $0x2710, v2;
	_ =	sdelay $0x3  }
0x1c: {  	[tilespmem:v4+s9+$0x0] =	vst.idx.add.f32.msk $0xffff, v3  }
0x1d: {  	v3 =	vadd.s32 $0x2710, v4;
	v1 =	vld.idx.msk [tilespmem:v1+s2+$0x0], $0xffff  }
0x1e: {  	v5 =	vadd.s32 $0x4E20, v2;
	_ =	sdelay $0x3  }
0x1f: {  	[tilespmem:v3+s9+$0x0] =	vst.idx.add.f32.msk $0xffff, v1  }
0x20: {  	v3 =	vadd.s32 $0x4E20, v4;
	v1 =	vld.idx.msk [tilespmem:v5+s2+$0x0], $0xffff  }
0x21: {  	v2 =	vadd.s32 $0x7530, v2;
	_ =	sdelay $0x3  }
0x22: {  	[tilespmem:v3+s9+$0x0] =	vst.idx.add.f32.msk $0xffff, v1  }
0x23: {  	s14 =	simm.s32 $0x80;
	s13 =	simm.s32 $0x40;
	v1 =	vld.idx.msk [tilespmem:v2+s2+$0x0], $0xffff;
	v2 =	vadd.s32 $0x7530, v4  }
.LBB2_5:
0x24: {  	_ =	sdelay $0x2  }
0x25: {  	p0 =	sne.s32 s14, $0x270C0  }
0x26: {  	s15 =	sshra.s32 s13, $0x2;
	s13 =	smov.u32 s14;
	s14 =	sadd.s32 $0x40, s14;
	[tilespmem:v2+s9+$0x0] =	vst.idx.add.f32.msk $0xffff, v1  }
0x27: {  	v1 =	vld [tilespmem:s15+$0x13900];
	_ =	sdelay $0x4  }
0x28: {  	v2 =	vand.u32 $0xFFFF, v1;
	_ =	sdelay $0x4  }
0x29: {  	v3 =	vld.idx.msk [tilespmem:v2+s2+$0x0], $0xffff  }
0x2a: {  	v4 =	vshrl.u32 v1, $0x10  }
0x2b: {  	v1 =	vadd.s32 $0x2710, v2;
	_ =	sdelay $0x3  }
0x2c: {  	[tilespmem:v4+s9+$0x0] =	vst.idx.add.f32.msk $0xffff, v3  }
0x2d: {  	v1 =	vld.idx.msk [tilespmem:v1+s2+$0x0], $0xffff  }
0x2e: {  	v3 =	vadd.s32 $0x2710, v4  }
0x2f: {  	v5 =	vadd.s32 $0x4E20, v2;
	_ =	sdelay $0x3  }
0x30: {  	[tilespmem:v3+s9+$0x0] =	vst.idx.add.f32.msk $0xffff, v1  }
0x31: {  	v1 =	vld.idx.msk [tilespmem:v5+s2+$0x0], $0xffff  }
0x32: {  	v3 =	vadd.s32 $0x4E20, v4  }
0x33: {  	v2 =	vadd.s32 $0x7530, v2;
	_ =	sdelay $0x1  }
.Ltmp1:
0x34: {  	(pc) =	sbr.rel @p0 .LBB2_5-.Ltmp1, $4  }
0x35: {  	_ = 	snop  }
0x36: {  	[tilespmem:v3+s9+$0x0] =	vst.idx.add.f32.msk $0xffff, v1  }
0x37: {  	v1 =	vld.idx.msk [tilespmem:v2+s2+$0x0], $0xffff  }
0x38: {  	v2 =	vadd.s32 $0x7530, v4  }
0x39: {  	_ =	sdelay $0x3  }
0x3a: {  	s13 =	sshra.s32 s13, $0x2;
	[tilespmem:v2+s9+$0x0] =	vst.idx.add.f32.msk $0xffff, v1  }
0x3b: {  	v1 =	vld [tilespmem:s13+$0x13900];
	_ =	sdelay $0x4  }
0x3c: {  	v2 =	vand.u32 $0xFFFF, v1;
	_ =	sdelay $0x4  }
0x3d: {  	v1 =	vshrl.u32 v1, $0x10;
	v3 =	vld.idx.msk [tilespmem:v2+s2+$0x0], $0xffff  }
0x3e: {  	v4 =	vadd.s32 $0x2710, v2;
	_ =	sdelay $0x3  }
0x3f: {  	[tilespmem:v1+s9+$0x0] =	vst.idx.add.f32.msk $0xffff, v3  }
0x40: {  	v62 =	vadd.s32 $0x2710, v1;
	v3 =	vld.idx.msk [tilespmem:v4+s2+$0x0], $0xffff  }
0x41: {  	v5 =	vadd.s32 $0x4E20, v2;
	_ =	sdelay $0x3  }
0x42: {  	[tilespmem:v62+s9+$0x0] =	vst.idx.add.f32.msk $0xffff, v3  }
0x43: {  	v63 =	vadd.s32 $0x4E20, v1;
	v3 =	vld.idx.msk [tilespmem:v5+s2+$0x0], $0xffff  }
0x44: {  	v2 =	vadd.s32 $0x7530, v2;
	_ =	sdelay $0x3  }
0x45: {  	s12 =	sadd.s32 $0x1, s12;
	[tilespmem:v63+s9+$0x0] =	vst.idx.add.f32.msk $0xffff, v3  }
0x46: {  	p0 =	sne.s32 s12, $0x8;
	v1 =	vadd.s32 $0x7530, v1;
	v2 =	vld.idx.msk [tilespmem:v2+s2+$0x0], $0xffff  }
.Ltmp2:
0x47: {  	_ = 	snop;
	(pc) =	sbr.rel @p0 .LBB2_4-.Ltmp2, $2  }
0x48: {  	_ =	sdelay $0x2  }
0x49: {  	[tilespmem:v1+s9+$0x0] =	vst.idx.add.f32.msk $0xffff, v2  }
0x4a: {  	s10 =	sadd.s32 $0x1, s10  }
0x4b: {  	p0 =	sne.s32 s10, s6  }
.Ltmp3:
0x4c: {  	_ = 	snop;
	(pc) =	sbr.rel @p0 .LBB2_1-.Ltmp3, $4  }
0x4d: {  	[hbm4b:s5+s2] =	stream.linear.scatter [tilespmem:s9], [sflag:$0x1], $0x9C40, $0x38;
	[tilespmem:$0x1D580] =	vst v63  }
0x4e: {  	_ =	swait.ge [sflag:s7], $0x9C40  }
0x4f: {  	[sflag:s7] =	ssyncset.done $0x0  }
0x50: {  	[sflag:s7] =	ssyncadd.s32 $0xFFFF63C0  }
0x51: {  	_ =	sfence.sel $0x180000  }
0x52: {  	[bflag:$0x0] =	sbarrier.arrive $0xFFFF  }
0x53: {  	p0 =	sne.s32 s0, $0x0;
	_ =	strace $0x9000004D  }
0x54: {  	s0 =	sadd.s32 @!p0 $0x100000, s1;
	[bflag:$0x2] =	sbarrier.arrive $0xFFFF  }
0x55: {  	[sflag:s0] =	ssyncadd.tile.s32 @!p0 $0x1;
	_ =	shalt  }
.Lfunc_end2:
_tile_overlayer_lowered:
.L_overlay_start_2:
0x56: {  	(tag) =	ssettag $0x2  }
0x57: {  	s0 =	rddreg [dreg:$0x0];
	s2 =	stileid.u32  }
0x58: {  	s1 =	rddreg [dreg:$0x1];
	p0 =	sne.s32 s2, $0x0  }
0x59: {  	s3 =	rddreg [dreg:$0x2];
	[bflag:$0x3] =	sbarrier.arrive $0xFFFF;
	s2 =	simm.s32 @!p0 $0x1C01  }
0x5a: {  	[timem:s3], [sflag:s2] =	dma.local @!p0 [hbm:s0], s1  }
0x5b: {  	s0 =	simm.s32 @!p0 $0x1  }
0x5c: {  	_ =	swait.ge @!p0 [sflag:s0], s1  }
0x5d: {  	s1 =	ssub.s32 @!p0 $0x0, s1;
	[sflag:s0] =	ssyncset.done @!p0 $0x0  }
0x5e: {  	[sflag:s0] =	ssyncadd.s32 @!p0 s1  }
0x5f: {  	[bflag:$0x3] =	sbarrier.arrive $0xFFFF  }
0x60: {  	_ =	shalt  }

// kernel: kernel.9.cloned.1.call-start
scs
__scs_entry_jumppad:
0x0: {  	(pc) =	sbr.rel $0x88, $3  }
0x1: {  	(tag) =	ssettag $0x0;
	lr =	simm.s32 $0x1  }
0x2: {  	[smem:$0x3F8F] =	sst lr;
	_ =	strace $0xD0000000  }
0x3: {  	_ = 	snop  }
0x4: {  	_ = 	snop  }
0x5: {  	_ = 	snop  }
0x6: {  	_ = 	snop  }
0x7: {  	_ = 	snop  }
__scs_overlays_trampoline_lowered:
0x8: {  	[smem:$0x3F9E] =	sst s0  }
0x9: {  	[smem:$0x3F9F] =	sst s1  }
0xa: {  	[smem:$0x3FA0] =	sst s2  }
0xb: {  	[smem:$0x3FA1] =	sst s3  }
0xc: {  	[smem:$0x3FA2] =	sst s4  }
0xd: {  	[smem:$0x3FA3] =	sst s5  }
0xe: {  	[smem:$0x3FA4] =	sst s6  }
0xf: {  	[smem:$0x3FA5] =	sst s7  }
0x10: {  	[smem:$0x3FA6] =	sst s8  }
0x11: {  	[smem:$0x3FA7] =	sst s9;
	s0 =	simm.s32 @!p0 $0x0  }
0x12: {  	s1 =	sld [smem:$0x3F8D];
	s0 =	simm.s32 @p0 $0x1  }
0x13: {  	[smem:$0x3FA8] =	sst s0;
	s0 =	simm.s32 @!p1 $0x0  }
0x14: {  	s2 =	sld [smem:$0x3F8C];
	s0 =	simm.s32 @p1 $0x1  }
0x15: {  	[smem:$0x3FA9] =	sst s0;
	s0 =	simm.s32 @!p2 $0x0  }
0x16: {  	s3 =	sld [smem:$0x3FDB];
	s0 =	simm.s32 @p2 $0x1  }
0x17: {  	s4 =	simm.s32 $0x1BF5;
	[smem:$0x3FAB] =	sst s0  }
0x18: {  	s0 =	sld [smem:$0x3F8E];
	_ =	swait.ge [sflag:s4], $0x0  }
0x19: {  	s7 =	sld [smem:$0x3F8F]  }
0x1a: {  	s8 =	sadd.s32 $0xFFFFE003, lr  }
0x1b: {  	s9 =	sadd.s32 $0xFFFFFEF7, lr;
	s5 =	simm.s32 $0xFFFFFFFF;
	p2 =	slt.u32 s8, $0xFFFFF086  }
0x1c: {  	p1 =	slt.u32 s9, $0xF7A;
	s5 =	simm.s32 @!p2 $0x0  }
0x1d: {  	s5 =	simm.s32 @p1 $0x1;
	p0 =	seq.s32 s7, s2  }
0x1e: {  	s7 =	smul.u32 @!p0 $0xF7A, s2;
	p2 =	seq.s32 @!p0 s5, $0x0  }
0x1f: {  	s9 =	smul.u32 $0xF7A, s1;
	s8 =	simm.s32 @!p0 $0x1BF5;
	p2 =	por !p2, p0  }
0x20: {  	[sflag:s8] =	ssyncset.s32 @!p0 $0xFFFFF086;
	s6 =	sadd.s32 @!p0 s3, s7;
	s7 =	simm.s32 @!p0 $0x108  }
0x21: {  	s3 =	sadd.s32 s3, s9;
	s6 =	sadd.s32 @!p0 $0x88, s6;
	s7 =	simm.s32 @p2 $0x1082  }
0x22: {  	[simem:s7], [sflag:s8] =	dma.local @!p0 [hbm:s6], $0xF7A  }
0x23: {  	s9 =	sor.u32 $0xD0000000, s2;
	s6 =	simm.s32 $0x108;
	_ =	swait.ge @!p0 [sflag:s8], $0x0  }
0x24: {  	s3 =	sadd.s32 $0x88, s3;
	s6 =	simm.s32 @!p1 $0x1082;
	[sflag:s4] =	ssyncset.s32 $0xFFFFF086  }
0x25: {  	[simem:s6], [sflag:s4] =	dma.local [hbm:s3], $0xF7A  }
0x26: {  	[smem:$0x3F8F] =	sst s1;
	(tag) =	ssettag s2;
	_ =	strace s9  }
0x27: {  	s1 =	sld [smem:$0x3F9F]  }
0x28: {  	s2 =	sld [smem:$0x3FA0]  }
0x29: {  	s4 =	sld [smem:$0x3FA2]  }
0x2a: {  	p0 =	seq.s32 s5, $0x0;
	s5 =	sld [smem:$0x3FA3]  }
0x2b: {  	s6 =	sld [smem:$0x3FA4]  }
0x2c: {  	s7 =	sld [smem:$0x3FA5]  }
0x2d: {  	s3 =	simm.s32 $0x108;
	s8 =	sld [smem:$0x3FA6]  }
0x2e: {  	s3 =	simm.s32 @!p0 $0x1082;
	s9 =	sld [smem:$0x3FA7]  }
0x2f: {  	lr =	sadd.s32 s0, s3;
	s0 =	sld [smem:$0x3F9E]  }
0x30: {  	s3 =	sld [smem:$0x3FA1]  }
0x31: {  	[smem:$0x3FAA] =	sst s10  }
0x32: {  	s10 =	sld [smem:$0x3FA8];
	_ =	sdelay $0x3  }
0x33: {  	p0 =	seq.s32 s10, $0x1;
	s10 =	sld [smem:$0x3FAA];
	_ =	sdelay $0x3  }
0x34: {  	[smem:$0x3FAA] =	sst s10  }
0x35: {  	s10 =	sld [smem:$0x3FA9];
	_ =	sdelay $0x3  }
0x36: {  	p1 =	seq.s32 s10, $0x1;
	s10 =	sld [smem:$0x3FAA];
	_ =	sdelay $0x3  }
0x37: {  	[smem:$0x3FAA] =	sst s10  }
0x38: {  	s10 =	sld [smem:$0x3FAB]  }
0x39: {  	_ = 	snop;
	(pc) =	sbr.ind lr, $3  }
0x3a: {  	_ = 	snop  }
0x3b: {  	_ = 	snop  }
0x3c: {  	p2 =	seq.s32 s10, $0x1;
	s10 =	sld [smem:$0x3FAA]  }
0x3d: {  	_ =	shalt  }
0x3e: {  	_ =	shalt  }
0x3f: {  	_ =	shalt  }
0x40: {  	_ =	shalt  }
0x41: {  	_ =	shalt  }
0x42: {  	_ =	shalt  }
0x43: {  	_ =	shalt  }
0x44: {  	_ =	shalt  }
0x45: {  	_ =	shalt  }
0x46: {  	_ =	shalt  }
0x47: {  	_ =	shalt  }
0x48: {  	_ =	shalt  }
0x49: {  	_ =	shalt  }
0x4a: {  	_ =	shalt  }
0x4b: {  	_ =	shalt  }
0x4c: {  	_ =	shalt  }
0x4d: {  	_ =	shalt  }
0x4e: {  	_ =	shalt  }
0x4f: {  	_ =	shalt  }
0x50: {  	_ =	shalt  }
0x51: {  	_ =	shalt  }
0x52: {  	_ =	shalt  }
0x53: {  	_ =	shalt  }
0x54: {  	_ =	shalt  }
0x55: {  	_ =	shalt  }
0x56: {  	_ =	shalt  }
0x57: {  	_ =	shalt  }
0x58: {  	_ =	shalt  }
0x59: {  	_ =	shalt  }
0x5a: {  	_ =	shalt  }
0x5b: {  	_ =	shalt  }
0x5c: {  	_ =	shalt  }
0x5d: {  	_ =	shalt  }
0x5e: {  	_ =	shalt  }
0x5f: {  	_ =	shalt  }
0x60: {  	_ =	shalt  }
0x61: {  	_ =	shalt  }
0x62: {  	_ =	shalt  }
0x63: {  	_ =	shalt  }
0x64: {  	_ =	shalt  }
0x65: {  	_ =	shalt  }
0x66: {  	_ =	shalt  }
0x67: {  	_ =	shalt  }
0x68: {  	_ =	shalt  }
0x69: {  	_ =	shalt  }
0x6a: {  	_ =	shalt  }
0x6b: {  	_ =	shalt  }
0x6c: {  	_ =	shalt  }
0x6d: {  	_ =	shalt  }
0x6e: {  	_ =	shalt  }
0x6f: {  	_ =	shalt  }
0x70: {  	_ =	shalt  }
0x71: {  	_ =	shalt  }
0x72: {  	_ =	shalt  }
0x73: {  	_ =	shalt  }
0x74: {  	_ =	shalt  }
0x75: {  	_ =	shalt  }
0x76: {  	_ =	shalt  }
0x77: {  	_ =	shalt  }
0x78: {  	_ =	shalt  }
0x79: {  	_ =	shalt  }
0x7a: {  	_ =	shalt  }
0x7b: {  	_ =	shalt  }
0x7c: {  	_ =	shalt  }
0x7d: {  	_ =	shalt  }
0x7e: {  	_ =	shalt  }
0x7f: {  	_ =	shalt  }
0x80: {  	_ =	shalt  }
0x81: {  	_ =	shalt  }
0x82: {  	_ =	shalt  }
0x83: {  	_ =	shalt  }
0x84: {  	_ =	shalt  }
0x85: {  	_ =	shalt  }
0x86: {  	_ =	shalt  }
0x87: {  	_ =	shalt  }
.Lfunc_end0:
.L_simem_size_0:
called_computation_lowered:
.L_overlay_start_0:
0x88: {  	s2 =	sld [smem:$0x3FD9]  }
0x89: {  	s3 =	sld [smem:$0x3FFE];
	_ =	sdelay $0x1  }
0x8a: {  	s1 =	srdreg.scid  }
0x8b: {  	s0 =	sand.u32 $0x1, s1  }
0x8c: {  	s16 =	sshll.u32 s0, $0xA;
	s2 =	sadd.s32 s3, s2  }
0x8d: {  	s2 =	sadd.s32 s2, s16  }
0x8e: {  	[smem:$0x3FB6] =	sst s2  }
0x8f: {  	_ = 	snop  }
0x90: {  	(tm) =	ssettm $0x1  }
0x91: {  	s17 =	sld [smem:$0x3FFB];
	_ =	sdelay $0x3  }
0x92: {  	_ =	strace s17  }
0x93: {  	s2 =	sld [smem:$0x3FFC];
	_ =	sdelay $0x3  }
0x94: {  	_ =	strace s2  }
0x95: {  	s2 =	sld [smem:$0x3FFD];
	_ =	sdelay $0x3  }
0x96: {  	_ =	strace s2  }
0x97: {  	_ =	strace $0x8FFFFFFF  }
0x98: {  	s18 =	sld [smem:$0x3FDB];
	_ =	sdelay $0x1  }
0x99: {  	s19 =	simm.s32 $_scs_section_size  }
0x9a: {  	s4 =	simm.s32 $_size__tile_overlayer_lowered;
	s5 =	simm.s32 $_tile_overlayer_lowered  }
0x9b: {  	s22 =	simm.s32 $0x1BFF;
	s21 =	sshll.u32 s5, $0x1;
	s2 =	sadd.s32 s19, s18  }
0x9c: {  	s6 =	simm.s32 $0x0;
	s20 =	sshll.u32 s4, $0x1;
	s4 =	sadd.s32 s21, s2  }
0x9d: {  	[timem:s6], [sflag:s22] =	dma.local [hbm:s4], s20  }
0x9e: {  	_ =	swait.ge [sflag:s22], s20  }
0x9f: {  	s3 =	ssub.s32 $0x0, s20;
	[sflag:s22] =	ssyncset.done $0x0  }
0xa0: {  	[sflag:s22] =	ssyncadd.s32 s3;
	_ =	sdelay $0x1  }
0xa1: {  	s23 =	simm.s32 $0x1B8B  }
0xa2: {  	_ =	swait.ge [sflag:s23], $0x1  }
0xa3: {  	[sflag:s23] =	ssyncset.done $0x0  }
0xa4: {  	s25 =	simm.s32 $0x1B8E;
	s24 =	sld [smem:$0x3FFE];
	[sflag:s23] =	ssyncadd.s32 $0xFFFFFFFF  }
0xa5: {  	s26 =	simm.s32 $execute0_lowered;
	[smem:$0x3FD2] =	sst s25  }
0xa6: {  	s4 =	sshll.u32 s26, $0x1;
	_ =	strace $0x80000046;
	[dreg:$0x1] =	wrdreg $0xFFFFFFFF  }
0xa7: {  	s28 =	simm.s32 $_size_execute0_lowered;
	s2 =	sadd.s32 s2, s4;
	[dreg:$0x0] =	wrdreg $0x0  }
0xa8: {  	s4 =	sshll.u32 s28, $0x1;
	[dreg:$0x2] =	wrdreg s2  }
0xa9: {  	[dreg:$0x3] =	wrdreg s4  }
0xaa: {  	[dreg:$0x4] =	wrdreg $0xC0  }
0xab: {  	_ =	task [dreg:s6], $0x5FFFF  }
0xac: {  	[dreg:$0x1] =	wrdreg $0xFFFFFFFF  }
0xad: {  	[dreg:$0x0] =	wrdreg $0x60  }
0xae: {  	[dreg:$0x2] =	wrdreg s24  }
0xaf: {  	[dreg:$0x3] =	wrdreg $0x9  }
0xb0: {  	_ =	task.clear_ibuf [dreg:s6], $0x4FFFF;
	_ =	strace $0x90000046  }
0xb1: {  	s29 =	simm.s32 $0x9;
	_ =	strace $0x80000048  }
0xb2: {  	_ =	swait.ge [sflag:s29], $0x1  }
0xb3: {  	[sflag:s29] =	ssyncadd.s32 $0xFFFFFFFF  }
0xb4: {  	_ =	strace $0x90000048  }
0xb5: {  	_ =	sfence  }
0xb6: {  	s30 =	sld [smem:$0x0];
	_ =	sdelay $0x2  }
0xb7: {  	s31 =	sshll.u32 s1, $0xD;
	s1 =	sshrl.u32 s1, $0x2  }
0xb8: {  	s3 =	sand.u32 $0x4000, s31;
	s1 =	sadd.s32 s1, s30  }
0xb9: {  	s0 =	sor.u32 s3, s0;
	s1 =	sshll.u32 s1, $0x11  }
0xba: {  	s0 =	sor.u32 s1, s0  }
0xbb: {  	s0 =	sadd.s32 $0x8F2B, s0  }
0xbc: {  	[sflag:s0] =	ssyncadd.remote.s32 $0x1  }
0xbd: {  	_ =	sfence.sel $0xFFFF  }
0xbe: {  	[dreg:$0x0] =	wrdreg $0xFFFFFFFF;
	(pc) =	sbr.abs _section_cstart, $3  }
0xbf: {  	[dreg:$0x1] =	wrdreg $0xFFFFFFFF  }
0xc0: {  	_ =	task.clear_ibuf [dreg:s6], $0x2FFFF;
	_ =	strace $0x9FFFFFFF  }
0xc1: {  	(tm) =	ssettm $0x7FFFFFFF  }
tec
execute0_lowered:
.L_overlay_start_1:
0x0: {  	(tag) =	ssettag $0x1  }
0x1: {  	s0 =	srdreg.scid;
	s4 =	rddreg [dreg:$0x0]  }
0x2: {  	s2 =	simm.s32 $0x0;
	s8 =	simm.s32 $0x13900;
	s3 =	sand.u32 $0x1, s0  }
0x3: {  	s9 =	simm.s32 $0x9C80;
	s0 =	stileid.u32;
	s1 =	sshll.u32 s3, $0x4  }
0x4: {  	s10 =	simm.s32 $0x0;
	[smem:$0x7FF] =	sst s2;
	s5 =	sor.u32 s0, s1  }
0x5: {  	s6 =	ssub.s32 $0x2, s3;
	s3 =	sadd.s32 $0x2800, s4;
	s5 =	smul.u32 $0x1388, s5  }
0x6: {  	s1 =	rddreg [dreg:$0x1];
	_ =	strace $0x80000047;
	s7 =	sshrl.u32 s6, $0x1  }
0x7: {  	s6 =	ssub.s32 s6, s7;
	s7 =	simm.s32 $0x1;
	s5 =	sadd.s32 s5, s4  }
0x8: {  	v0 =	vimm.f32 $0.0e+00;
	s6 =	smax.u32 s6, $0x1;
	s4 =	sadd.s32 $0xC600, s5;
	s5 =	sadd.s32 $0x33800, s5  }
.LBB2_1:
0x9: {  	[tilespmem:s2], [sflag:$0x1] =	stream.linear.gather [hbm4b:s4+s2], $0x9C40, $0x38;
	[tilespmem:$0x1D580] =	vst v63  }
0xa: {  	_ =	swait.ge [sflag:s7], $0x9C40  }
0xb: {  	[sflag:s7] =	ssyncset.done $0x0  }
0xc: {  	s11 =	simm.s32 $0x40;
	s12 =	simm.s32 $0x0;
	[sflag:s7] =	ssyncadd.s32 $0xFFFF63C0  }
.LBB2_2:
0xd: {  	p0 =	sne.s32 s11, $0x270C0;
	[tilespmem:s12+$0x9C80] =	vst v0;
	s12 =	smov.u32 s11;
	s11 =	sadd.s32 $0x40, s11  }
.Ltmp0:
0xe: {  	(pc) =	sbr.rel @p0 .LBB2_2-.Ltmp0, $2  }
0xf: {  	_ =	sdelay $0x2  }
0x10: {  	s12 =	sshra.s32 s12, $0x2  }
0x11: {  	[tilespmem:s12+$0x9C80] =	vst v0;
	s11 =	simm.s32 $0x0;
	s12 =	simm.s32 $0x0  }
.LBB2_4:
0x12: {  	s13 =	smul.u32 $0x1388, s12;
	_ =	sdelay $0x1  }
0x13: {  	s13 =	sadd.s32 s3, s13  }
0x14: {  	[tilespmem:s8], [sflag:$0x1] =	stream.linear.gather [hbm4b:s13+s11], $0x9C40, $0x38;
	[tilespmem:$0x1D580] =	vst v63  }
0x15: {  	_ =	swait.ge [sflag:s7], $0x9C40  }
0x16: {  	[sflag:s7] =	ssyncset.done $0x0  }
0x17: {  	s31 =	simm.s32 $0x0;
	[sflag:s7] =	ssyncadd.s32 $0xFFFF63C0  }
0x18: {  	v1 =	vld [tilespmem:s31+$0x13900];
	_ =	sdelay $0x4  }
0x19: {  	v2 =	vand.u32 $0xFFFF, v1;
	_ =	sdelay $0x4  }
0x1a: {  	v4 =	vshrl.u32 v1, $0x10;
	v3 =	vld.idx.msk [tilespmem:v2+s2+$0x0], $0xffff  }
0x1b: {  	v1 =	vadd.s32 $0x2710, v2;
	_ =	sdelay $0x3  }
0x1c: {  	[tilespmem:v4+s9+$0x0] =	vst.idx.add.f32.msk $0xffff, v3  }
0x1d: {  	v3 =	vadd.s32 $0x2710, v4;
	v1 =	vld.idx.msk [tilespmem:v1+s2+$0x0], $0xffff  }
0x1e: {  	v5 =	vadd.s32 $0x4E20, v2;
	_ =	sdelay $0x3  }
0x1f: {  	[tilespmem:v3+s9+$0x0] =	vst.idx.add.f32.msk $0xffff, v1  }
0x20: {  	v3 =	vadd.s32 $0x4E20, v4;
	v1 =	vld.idx.msk [tilespmem:v5+s2+$0x0], $0xffff  }
0x21: {  	v2 =	vadd.s32 $0x7530, v2;
	_ =	sdelay $0x3  }
0x22: {  	[tilespmem:v3+s9+$0x0] =	vst.idx.add.f32.msk $0xffff, v1  }
0x23: {  	s14 =	simm.s32 $0x80;
	s13 =	simm.s32 $0x40;
	v1 =	vld.idx.msk [tilespmem:v2+s2+$0x0], $0xffff;
	v2 =	vadd.s32 $0x7530, v4  }
.LBB2_5:
0x24: {  	_ =	sdelay $0x2  }
0x25: {  	p0 =	sne.s32 s14, $0x270C0  }
0x26: {  	s15 =	sshra.s32 s13, $0x2;
	s13 =	smov.u32 s14;
	s14 =	sadd.s32 $0x40, s14;
	[tilespmem:v2+s9+$0x0] =	vst.idx.add.f32.msk $0xffff, v1  }
0x27: {  	v1 =	vld [tilespmem:s15+$0x13900];
	_ =	sdelay $0x4  }
0x28: {  	v2 =	vand.u32 $0xFFFF, v1;
	_ =	sdelay $0x4  }
0x29: {  	v3 =	vld.idx.msk [tilespmem:v2+s2+$0x0], $0xffff  }
0x2a: {  	v4 =	vshrl.u32 v1, $0x10  }
0x2b: {  	v1 =	vadd.s32 $0x2710, v2;
	_ =	sdelay $0x3  }
0x2c: {  	[tilespmem:v4+s9+$0x0] =	vst.idx.add.f32.msk $0xffff, v3  }
0x2d: {  	v1 =	vld.idx.msk [tilespmem:v1+s2+$0x0], $0xffff  }
0x2e: {  	v3 =	vadd.s32 $0x2710, v4  }
0x2f: {  	v5 =	vadd.s32 $0x4E20, v2;
	_ =	sdelay $0x3  }
0x30: {  	[tilespmem:v3+s9+$0x0] =	vst.idx.add.f32.msk $0xffff, v1  }
0x31: {  	v1 =	vld.idx.msk [tilespmem:v5+s2+$0x0], $0xffff  }
0x32: {  	v3 =	vadd.s32 $0x4E20, v4  }
0x33: {  	v2 =	vadd.s32 $0x7530, v2;
	_ =	sdelay $0x1  }
.Ltmp1:
0x34: {  	(pc) =	sbr.rel @p0 .LBB2_5-.Ltmp1, $4  }
0x35: {  	_ = 	snop  }
0x36: {  	[tilespmem:v3+s9+$0x0] =	vst.idx.add.f32.msk $0xffff, v1  }
0x37: {  	v1 =	vld.idx.msk [tilespmem:v2+s2+$0x0], $0xffff  }
0x38: {  	v2 =	vadd.s32 $0x7530, v4  }
0x39: {  	_ =	sdelay $0x3  }
0x3a: {  	s13 =	sshra.s32 s13, $0x2;
	[tilespmem:v2+s9+$0x0] =	vst.idx.add.f32.msk $0xffff, v1  }
0x3b: {  	v1 =	vld [tilespmem:s13+$0x13900];
	_ =	sdelay $0x4  }
0x3c: {  	v2 =	vand.u32 $0xFFFF, v1;
	_ =	sdelay $0x4  }
0x3d: {  	v1 =	vshrl.u32 v1, $0x10;
	v3 =	vld.idx.msk [tilespmem:v2+s2+$0x0], $0xffff  }
0x3e: {  	v4 =	vadd.s32 $0x2710, v2;
	_ =	sdelay $0x3  }
0x3f: {  	[tilespmem:v1+s9+$0x0] =	vst.idx.add.f32.msk $0xffff, v3  }
0x40: {  	v62 =	vadd.s32 $0x2710, v1;
	v3 =	vld.idx.msk [tilespmem:v4+s2+$0x0], $0xffff  }
0x41: {  	v5 =	vadd.s32 $0x4E20, v2;
	_ =	sdelay $0x3  }
0x42: {  	[tilespmem:v62+s9+$0x0] =	vst.idx.add.f32.msk $0xffff, v3  }
0x43: {  	v63 =	vadd.s32 $0x4E20, v1;
	v3 =	vld.idx.msk [tilespmem:v5+s2+$0x0], $0xffff  }
0x44: {  	v2 =	vadd.s32 $0x7530, v2;
	_ =	sdelay $0x3  }
0x45: {  	s12 =	sadd.s32 $0x1, s12;
	[tilespmem:v63+s9+$0x0] =	vst.idx.add.f32.msk $0xffff, v3  }
0x46: {  	p0 =	sne.s32 s12, $0x8;
	v1 =	vadd.s32 $0x7530, v1;
	v2 =	vld.idx.msk [tilespmem:v2+s2+$0x0], $0xffff  }
.Ltmp2:
0x47: {  	_ = 	snop;
	(pc) =	sbr.rel @p0 .LBB2_4-.Ltmp2, $2  }
0x48: {  	_ =	sdelay $0x2  }
0x49: {  	[tilespmem:v1+s9+$0x0] =	vst.idx.add.f32.msk $0xffff, v2  }
0x4a: {  	s10 =	sadd.s32 $0x1, s10  }
0x4b: {  	p0 =	sne.s32 s10, s6  }
.Ltmp3:
0x4c: {  	_ = 	snop;
	(pc) =	sbr.rel @p0 .LBB2_1-.Ltmp3, $4  }
0x4d: {  	[hbm4b:s5+s2] =	stream.linear.scatter [tilespmem:s9], [sflag:$0x1], $0x9C40, $0x38;
	[tilespmem:$0x1D580] =	vst v63  }
0x4e: {  	_ =	swait.ge [sflag:s7], $0x9C40  }
0x4f: {  	[sflag:s7] =	ssyncset.done $0x0  }
0x50: {  	[sflag:s7] =	ssyncadd.s32 $0xFFFF63C0  }
0x51: {  	_ =	sfence.sel $0x180000  }
0x52: {  	[bflag:$0x0] =	sbarrier.arrive $0xFFFF  }
0x53: {  	p0 =	sne.s32 s0, $0x0;
	_ =	strace $0x90000047  }
0x54: {  	s0 =	sadd.s32 @!p0 $0x100000, s1;
	[bflag:$0x2] =	sbarrier.arrive $0xFFFF  }
0x55: {  	[sflag:s0] =	ssyncadd.tile.s32 @!p0 $0x1;
	_ =	shalt  }
.Lfunc_end2:
_tile_overlayer_lowered:
.L_overlay_start_2:
0x56: {  	(tag) =	ssettag $0x2  }
0x57: {  	s0 =	rddreg [dreg:$0x0];
	s2 =	stileid.u32  }
0x58: {  	s1 =	rddreg [dreg:$0x1];
	p0 =	sne.s32 s2, $0x0  }
0x59: {  	s3 =	rddreg [dreg:$0x2];
	[bflag:$0x3] =	sbarrier.arrive $0xFFFF;
	s2 =	simm.s32 @!p0 $0x1C01  }
0x5a: {  	[timem:s3], [sflag:s2] =	dma.local @!p0 [hbm:s0], s1  }
0x5b: {  	s0 =	simm.s32 @!p0 $0x1  }
0x5c: {  	_ =	swait.ge @!p0 [sflag:s0], s1  }
0x5d: {  	s1 =	ssub.s32 @!p0 $0x0, s1;
	[sflag:s0] =	ssyncset.done @!p0 $0x0  }
0x5e: {  	[sflag:s0] =	ssyncadd.s32 @!p0 s1  }
0x5f: {  	[bflag:$0x3] =	sbarrier.arrive $0xFFFF  }
0x60: {  	_ =	shalt  }

</sc_bundles>
